<compile_context>
chip_gen: v7x
topology: tpu7x:2x2x1
jax: 0.10.2.dev20260603
libtpu: 0.0.44.dev20260713+nightly
codegen_flags: <defaults>
</compile_context>

<pallas_src>
import functools

import jax
import jax.numpy as jnp
import numpy as np
from jax import lax
from jax.experimental import pallas as pl
from jax.experimental.pallas import tpu as pltpu
from jax.experimental.pallas import tpu_sc as plsc

B, C, H, W = 16, 255, 64, 64
A = 3
NCLS = 80
T = 50
N_CELLS = float(B * A * H * W)

_STRIDE = np.float32(8.0)
_AW = (np.array([116.0, 156.0, 373.0], dtype=np.float32) / _STRIDE)
_AH = (np.array([90.0, 198.0, 326.0], dtype=np.float32) / _STRIDE)
_EPS = np.float32(1e-9)
_W2H2 = _AW * (_AH + _EPS)

C0 = np.float32(-np.log(np.float32(1.0) - np.float32(1e-7)))

_NC, _NS = 2, 16
_NW = _NC * _NS


def _iou3(gw, gh):
    w1 = gw
    h1 = gh + _EPS
    ious = []
    for a in range(A):
        inter = jnp.maximum(jnp.minimum(w1, _AW[a]), 0.0) * jnp.maximum(
            jnp.minimum(h1, _AH[a] + _EPS), 0.0)
        union = w1 * h1 + _W2H2[a] - inter + _EPS
        ious.append(inter / union)
    return ious


def _best_n(iou0, iou1, iou2):
    b01 = jnp.where(iou1 > iou0, 1, 0).astype(jnp.int32)
    m01 = jnp.maximum(iou0, iou1)
    return jnp.where(iou2 > m01, 2, b01).astype(jnp.int32)


def _sel3(bn, v0, v1, v2):
    return jnp.where(bn == 2, v2, jnp.where(bn == 1, v1, v0))



@functools.cache
def _make_sc_gather():
    mesh = plsc.VectorSubcoreMesh(
        core_axis_name="c", subcore_axis_name="s")
    return functools.partial(
        pl.kernel, mesh=mesh,
        out_type=jax.ShapeDtypeStruct((T, 16, 256), jnp.float32),
        scratch_types=[
            pltpu.VMEM((B * T * 5,), jnp.float32),
            pltpu.VMEM((16,), jnp.int32),
            pltpu.VMEM((16, 256), jnp.float32),
            pltpu.SemaphoreType.DMA,
        ],
    )(_sc_gather_body)


def _sc_gather_body(tab_hbm, annot_hbm, out_hbm, annot_v, idx_v, rows_v, sem):
    wid = lax.axis_index("s") * _NC + lax.axis_index("c")
    pltpu.sync_copy(annot_hbm, annot_v)
    b_iota = lax.iota(jnp.int32, 16)
    for j in range(2):
        c = wid + _NW * j

        @pl.when(c < T)
        def _chunk():
            fbase = c * 80
            a1 = annot_v[pl.ds(fbase + 16, 16)]
            a2 = annot_v[pl.ds(fbase + 32, 16)]
            gx = a1 * float(W)
            gy = a2 * float(H)
            gi = jnp.minimum(jnp.maximum(gx.astype(jnp.int32), 0), W - 1)
            gj = jnp.minimum(jnp.maximum(gy.astype(jnp.int32), 0), H - 1)
            cell = (b_iota * H + gj) * W + gi
            idx_v[pl.ds(0, 16)] = cell
            pltpu.async_copy(tab_hbm.at[idx_v], rows_v, sem).wait()
            pltpu.sync_copy(rows_v, out_hbm.at[c])



def _tc_body(c0_ref, c1_ref, c2_ref, annot_ref, gath_ref, out_ref):
    total = 0.0
    for cref in (c0_ref, c1_ref, c2_ref):
        s = jax.nn.sigmoid(cref[...])
        cp = jnp.clip(s, 1e-7, 1.0 - 1e-7)
        total = total + jnp.sum(-jnp.log(1.0 - cp))

    An = annot_ref[...]
    a0 = An[:, 0, :]
    gx = An[:, 1, :] * float(W)
    gy = An[:, 2, :] * float(H)
    gw = An[:, 3, :] * float(W)
    gh = An[:, 4, :] * float(H)
    gi_f = jnp.clip(jnp.floor(gx), 0, W - 1)
    gj_f = jnp.clip(jnp.floor(gy), 0, H - 1)
    gi = gi_f.astype(jnp.int32)
    gj = gj_f.astype(jnp.int32)
    iou0, iou1, iou2 = _iou3(gw, gh)
    bn = _best_n(iou0, iou1, iou2)
    aw = _sel3(bn, _AW[0], _AW[1], _AW[2])
    ah = _sel3(bn, _AH[0], _AH[1], _AH[2])

    b_col = lax.broadcasted_iota(jnp.int32, (T, 16), 1)
    cell = gj * W + gi
    gkey = (b_col * A + bn) * (H * W) + cell
    tt = lax.broadcasted_iota(jnp.int32, (T, T, 16), 0)
    tp = lax.broadcasted_iota(jnp.int32, (T, T, 16), 1)
    clash = (gkey[:, None, :] == gkey[None, :, :]) & (tp > tt)
    wm = 1.0 - jnp.any(clash, axis=1).astype(jnp.float32)
    n_mask = jnp.sum(wm)

    sk = b_col * (H * W) + cell
    esp = (sk[:, None, :] == sk[None, :, :]) & (tp < tt)

    G = gath_ref[...]
    SIG = jax.nn.sigmoid(G)
    CL = jnp.clip(SIG, 1e-7, 1.0 - 1e-7)
    L1 = jnp.log(CL)
    L0 = jnp.log(1.0 - CL)

    lane = lax.broadcasted_iota(jnp.int32, (T, 16, 256), 2)
    clsi = jnp.clip(a0.astype(jnp.int32), 0, NCLS - 1)

    adj = 0.0
    n_no = 0.0
    per_a = []
    for a, iou_a in enumerate((iou0, iou1, iou2)):
        base = 85 * a
        ign = iou_a > 0.5
        earlier = jnp.any(esp & ign[None, :, :], axis=1)
        uf = (ign & (~earlier)).astype(jnp.float32)
        adj = adj + jnp.sum(-L0[:, :, base + 4] * uf)
        n_no = n_no + jnp.sum(uf)
        is_cls = (lane >= base + 5) & (lane < base + 85)
        oh = lane == (base + 5 + clsi)[:, :, None]
        clsum = jnp.sum(jnp.where(is_cls, -L0, 0.0), axis=2)
        winterm = jnp.sum(jnp.where(oh, L0 - L1, 0.0), axis=2)
        per_a.append((base, clsum, winterm))

    def sel_lane(arr, k):
        return _sel3(bn, arr[:, :, per_a[0][0] + k],
                     arr[:, :, per_a[1][0] + k], arr[:, :, per_a[2][0] + k])

    def sel_f(f):
        return _sel3(bn, f(per_a[0]), f(per_a[1]), f(per_a[2]))

    tx = gx - gi_f
    ty = gy - gj_f
    l1x = sel_lane(L1, 0)
    l0x = sel_lane(L0, 0)
    l1y = sel_lane(L1, 1)
    l0y = sel_lane(L0, 1)
    sum_x = jnp.sum(-(tx * l1x + (1.0 - tx) * l0x) * wm)
    sum_y = jnp.sum(-(ty * l1y + (1.0 - ty) * l0y) * wm)
    tw = jnp.log(gw / aw + 1e-16)
    th = jnp.log(gh / ah + 1e-16)
    dw = sel_lane(G, 2) - tw
    dh = sel_lane(G, 3) - th
    sum_w = jnp.sum(dw * dw * wm)
    sum_h = jnp.sum(dh * dh * wm)
    sum_cm = jnp.sum(-sel_lane(L1, 4) * wm)
    sum_cls = jnp.sum((sel_f(lambda p: p[1]) + sel_f(lambda p: p[2])) * wm)

    loss_x = 0.5 * ((N_CELLS - n_mask) * C0 + sum_x) / N_CELLS
    loss_y = 0.5 * ((N_CELLS - n_mask) * C0 + sum_y) / N_CELLS
    loss_w = 2.5 * sum_w / N_CELLS
    loss_h = 2.5 * sum_h / N_CELLS
    lc1 = ((N_CELLS - n_mask) * C0 + sum_cm) / N_CELLS
    lc2 = 0.5 * (total - adj + n_no * C0) / N_CELLS
    denom = jnp.maximum(n_mask * float(NCLS), 1.0)
    loss_cls = sum_cls / denom
    out_ref[...] = jnp.full(
        (1, 1),
        loss_x + loss_y + loss_w + loss_h + lc1 + lc2 + loss_cls,
        jnp.float32)


def _tc_loss(c0, c1, c2, annot_t, gathered, interpret=False):
    return pl.pallas_call(
        _tc_body,
        in_specs=[
            pl.BlockSpec((B, H * W), lambda: (0, 0)),
            pl.BlockSpec((B, H * W), lambda: (0, 0)),
            pl.BlockSpec((B, H * W), lambda: (0, 0)),
            pl.BlockSpec((T, 5, 16), lambda: (0, 0, 0)),
            pl.BlockSpec((T, 16, 256), lambda: (0, 0, 0)),
        ],
        out_specs=pl.BlockSpec((1, 1), lambda: (0, 0)),
        out_shape=jax.ShapeDtypeStruct((1, 1), jnp.float32),
        interpret=interpret,
    )(c0, c1, c2, annot_t, gathered)


def kernel(pred, annot):
    predt = pred.transpose(0, 2, 3, 1)
    tab = jnp.pad(predt, ((0, 0),) * 3 + ((0, 1),)).reshape(B * H * W, 256)
    confs = [predt[:, :, :, 85 * a + 4].reshape(B, H * W) for a in range(A)]
    annot_t = annot.transpose(1, 2, 0)
    gathered = _make_sc_gather()(tab, annot_t.reshape(-1))
    loss = _tc_loss(*confs, annot_t, gathered)
    return loss.reshape(())

# --- scband reference (transcript-rebuilt; emitter-appended) ---
"""Pipeline reference for scband-yolo-loss-80547816669457 (READ-ONLY COPY).

The authoritative reference and input builder live on the scoring server;
editing this copy changes nothing except your own understanding.
"""

import jax, jax.numpy as jnp
import numpy as np

NUM_ANCHORS = 3
NUM_CLASSES = 80
IMG_SIZE = 512
ANCHORS = np.array([[116.0, 90.0], [156.0, 198.0], [373.0, 326.0]], dtype=np.float32)
IGNORE_THR = 0.5


def _bce(p, t):
    p = jnp.clip(p, 1e-7, 1.0 - 1e-7)
    return jnp.mean(-(t * jnp.log(p) + (1.0 - t) * jnp.log(1.0 - p)))


def _yolo_loss(pred, annot):
    B, C, H, W = pred.shape
    stride_h = IMG_SIZE / H
    stride_w = IMG_SIZE / W
    sa = jnp.asarray(ANCHORS) / jnp.array([stride_w, stride_h], dtype=jnp.float32)
    pr = pred.reshape(B, NUM_ANCHORS, 5 + NUM_CLASSES, H, W).transpose(0, 1, 3, 4, 2)
    x = jax.nn.sigmoid(pr[..., 0])
    y = jax.nn.sigmoid(pr[..., 1])
    w = pr[..., 2]
    h = pr[..., 3]
    conf = jax.nn.sigmoid(pr[..., 4])
    pred_cls = jax.nn.sigmoid(pr[..., 5:])
    T = annot.shape[1]
    gx = annot[:, :, 1] * W
    gy = annot[:, :, 2] * H
    gw = annot[:, :, 3] * W
    gh = annot[:, :, 4] * H
    gi_f = jnp.clip(jnp.floor(gx), 0, W - 1)
    gj_f = jnp.clip(jnp.floor(gy), 0, H - 1)
    gi = gi_f.astype(jnp.int32)
    gj = gj_f.astype(jnp.int32)
    eps = 1e-9
    # bbox_iou with x1y1x2y2=False, both boxes centered at origin (0,0,w,h)
    w1 = gw[..., None]
    h1 = gh[..., None] + eps
    w2 = sa[None, None, :, 0]
    h2 = sa[None, None, :, 1] + eps
    inter = jnp.clip(jnp.minimum(w1, w2), 0.0) * jnp.clip(jnp.minimum(h1, h2), 0.0)
    union = w1 * h1 + w2 * h2 - inter + eps
    iou = inter / union  # [B, T, A]
    best_n = jnp.argmax(iou, axis=-1)  # [B, T]
    bb = jnp.broadcast_to(jnp.arange(B)[:, None], (B, T))
    mask = jnp.zeros((B, NUM_ANCHORS, H, W), jnp.float32).at[bb, best_n, gj, gi].set(1.0)
    bb3 = jnp.broadcast_to(jnp.arange(B)[:, None, None], (B, T, NUM_ANCHORS))
    aa3 = jnp.broadcast_to(jnp.arange(NUM_ANCHORS)[None, None, :], (B, T, NUM_ANCHORS))
    gj3 = jnp.broadcast_to(gj[:, :, None], (B, T, NUM_ANCHORS))
    gi3 = jnp.broadcast_to(gi[:, :, None], (B, T, NUM_ANCHORS))
    noobj = jnp.ones((B, NUM_ANCHORS, H, W), jnp.float32).at[bb3, aa3, gj3, gi3].mul(jnp.where(iou > IGNORE_THR, 0.0, 1.0))
    aw = sa[best_n, 0]
    ah = sa[best_n, 1]
    zer = jnp.zeros((B, NUM_ANCHORS, H, W), jnp.float32)
    tx = zer.at[bb, best_n, gj, gi].set(gx - gi_f)
    ty = zer.at[bb, best_n, gj, gi].set(gy - gj_f)
    tw = zer.at[bb, best_n, gj, gi].set(jnp.log(gw / aw + 1e-16))
    th = zer.at[bb, best_n, gj, gi].set(jnp.log(gh / ah + 1e-16))
    cls_idx = jnp.clip(annot[:, :, 0].astype(jnp.int32), 0, NUM_CLASSES - 1)
    tcls = jnp.zeros((B, NUM_ANCHORS, H, W, NUM_CLASSES), jnp.float32).at[bb, best_n, gj, gi, cls_idx].set(1.0)
    loss_x = _bce(x * mask, tx * mask)
    loss_y = _bce(y * mask, ty * mask)
    loss_w = jnp.mean((w * mask - tw * mask) ** 2)
    loss_h = jnp.mean((h * mask - th * mask) ** 2)
    loss_conf = _bce(conf * mask, mask) + 0.5 * _bce(conf * noobj, jnp.zeros_like(conf))
    pc = jnp.clip(pred_cls, 1e-7, 1.0 - 1e-7)
    bce_el = -(tcls * jnp.log(pc) + (1.0 - tcls) * jnp.log(1.0 - pc))
    denom = jnp.maximum(jnp.sum(mask) * NUM_CLASSES, 1.0)
    loss_cls = jnp.sum(bce_el * mask[..., None]) / denom
    return loss_x * 0.5 + loss_y * 0.5 + loss_w * 2.5 + loss_h * 2.5 + loss_conf * 1.0 + loss_cls * 1.0


def setup_inputs(seed: int = 0):
    key = jax.random.key(seed)
    k1, k2 = jax.random.split(key)
    pred = jax.random.normal(k1, (16, 255, 64, 64), dtype=jnp.float32)
    annot = jax.random.uniform(k2, (16, 50, 5), dtype=jnp.float32)
    return {"pred": pred, "annot": annot}


def reference(pred, annot):
    return _yolo_loss(pred, annot)

if __name__ == "__main__":
    import jax
    _d = setup_inputs()
    print(jax.jit(kernel)(*tuple(_d.values())))

</pallas_src>

<mosaic_0001>
#map = affine_map<(d0, d1) -> (0, 0)>
#map1 = affine_map<(d0, d1) -> (0)>
#map2 = affine_map<(d0, d1) -> (0, 0, 0)>
module attributes {stable_mosaic.version = 14 : i64} {
  func.func @_sc_gather_body(%arg0: i32, %arg1: i32, %arg2: memref<65536x256xf32, #tpu.memory_space<hbm>>, %arg3: memref<4000xf32, #tpu.memory_space<hbm>>, %arg4: memref<50x16x256xf32, #tpu.memory_space<hbm>>, %arg5: memref<4000xf32, #tpu.memory_space<vmem>>, %arg6: memref<16xi32, #tpu.memory_space<vmem>>, %arg7: memref<16x256xf32, #tpu.memory_space<vmem>>, %arg8: memref<!tpu.dma_semaphore, #tpu.memory_space<semaphore_mem>>) attributes {dimension_semantics = [#tpu.dimension_semantics<core_parallel>, #tpu.dimension_semantics<subcore_parallel>], iteration_bounds = array<i64: 2, 16>, scalar_prefetch = 0 : i64, scratch_operands = 4 : i64, tpu.core_type = #tpu.core_type<sc_vector_subcore>, window_params = [{transform_indices = #map}, {transform_indices = #map1}, {transform_indices = #map2}]} {
    %mul3A = arith.constant 2 : i32
    %mul3A_0 = arith.muli %arg1, %mul3A : i32
    %add3A = arith.addi %mul3A_0, %arg0 : i32
    "tpu.region"() ({
      %run_scoped3A = tpu.sem_alloc : memref<!tpu.dma_semaphore, #tpu.memory_space<semaphore_mem>>
      tpu.enqueue_dma source(%arg3 : memref<4000xf32, #tpu.memory_space<hbm>>) target(%arg5 : memref<4000xf32, #tpu.memory_space<vmem>>) target_semaphore(%run_scoped3A : memref<!tpu.dma_semaphore, #tpu.memory_space<semaphore_mem>>)
      tpu.wait_dma2 semaphore(%run_scoped3A : memref<!tpu.dma_semaphore, #tpu.memory_space<semaphore_mem>>) src(%arg3 : memref<4000xf32, #tpu.memory_space<hbm>>) dst(%arg5 : memref<4000xf32, #tpu.memory_space<vmem>>)
      tpu.yield
    }) : () -> ()
    %iota3A = tpu.iota {dimensions = array<i32: 0>} : vector<16xi32>
    %add3A_1 = arith.constant 0 : i32
    %add3A_2 = arith.addi %add3A, %add3A_1 : i32
    %lt3A = arith.constant 50 : i32
    %lt3A_3 = arith.cmpi slt, %add3A_2, %lt3A : i32
    %convert_element_type3A = arith.extui %lt3A_3 : i1 to i32
    %cond3A = arith.constant 0 : i32
    %cond3A_4 = arith.cmpi ne, %convert_element_type3A, %cond3A : i32
    scf.if %cond3A_4 {
      %mul3A_12 = arith.constant 80 : i32
      %mul3A_13 = arith.muli %add3A_2, %mul3A_12 : i32
      %add3A_14 = arith.constant 16 : i32
      %add3A_15 = arith.addi %mul3A_13, %add3A_14 : i32
      %get3A = arith.index_cast %add3A_15 : i32 to index
      %get3A_16 = tpu.vector_load %arg5[%get3A] {strides = array<i32>} : memref<4000xf32, #tpu.memory_space<vmem>>, vector<16xf32>,
      %get3A_17 = vector.shape_cast %get3A_16 : vector<16xf32> to vector<16xf32>
      %add3A_18 = arith.constant 32 : i32
      %add3A_19 = arith.addi %mul3A_13, %add3A_18 : i32
      %get3A_20 = arith.index_cast %add3A_19 : i32 to index
      %get3A_21 = tpu.vector_load %arg5[%get3A_20] {strides = array<i32>} : memref<4000xf32, #tpu.memory_space<vmem>>, vector<16xf32>,
      %get3A_22 = vector.shape_cast %get3A_21 : vector<16xf32> to vector<16xf32>
      %mul3A_23 = arith.constant 6.400000e+01 : f32
      %mul3A_24 = vector.broadcast %mul3A_23 : f32 to vector<16xf32>
      %mul3A_25 = arith.mulf %get3A_17, %mul3A_24 : vector<16xf32>
      %mul3A_26 = arith.constant 6.400000e+01 : f32
      %mul3A_27 = vector.broadcast %mul3A_26 : f32 to vector<16xf32>
      %mul3A_28 = arith.mulf %get3A_22, %mul3A_27 : vector<16xf32>
      %convert_element_type3A_29 = arith.fptosi %mul3A_25 : vector<16xf32> to vector<16xi32>
      %max3A = arith.constant 0 : i32
      %max3A_30 = vector.broadcast %max3A : i32 to vector<16xi32>
      %max3A_31 = arith.maxsi %convert_element_type3A_29, %max3A_30 : vector<16xi32>
      %min3A = arith.constant 63 : i32
      %min3A_32 = vector.broadcast %min3A : i32 to vector<16xi32>
      %min3A_33 = arith.minsi %max3A_31, %min3A_32 : vector<16xi32>
      %convert_element_type3A_34 = arith.fptosi %mul3A_28 : vector<16xf32> to vector<16xi32>
      %max3A_35 = arith.constant 0 : i32
      %max3A_36 = vector.broadcast %max3A_35 : i32 to vector<16xi32>
      %max3A_37 = arith.maxsi %convert_element_type3A_34, %max3A_36 : vector<16xi32>
      %min3A_38 = arith.constant 63 : i32
      %min3A_39 = vector.broadcast %min3A_38 : i32 to vector<16xi32>
      %min3A_40 = arith.minsi %max3A_37, %min3A_39 : vector<16xi32>
      %mul3A_41 = arith.constant 64 : i32
      %mul3A_42 = vector.broadcast %mul3A_41 : i32 to vector<16xi32>
      %mul3A_43 = arith.muli %iota3A, %mul3A_42 : vector<16xi32>
      %add3A_44 = arith.addi %mul3A_43, %min3A_40 : vector<16xi32>
      %mul3A_45 = arith.constant 64 : i32
      %mul3A_46 = vector.broadcast %mul3A_45 : i32 to vector<16xi32>
      %mul3A_47 = arith.muli %add3A_44, %mul3A_46 : vector<16xi32>
      %add3A_48 = arith.addi %mul3A_47, %min3A_33 : vector<16xi32>
      %swap3A = arith.constant 0 : index
      %swap3A_49 = tpu.vector_load %arg6[%swap3A] {strides = array<i32>} : memref<16xi32, #tpu.memory_space<vmem>>, vector<16xi32>,
      %swap3A_50 = vector.shape_cast %swap3A_49 : vector<16xi32> to vector<16xi32>
      %swap3A_51 = vector.shape_cast %add3A_48 : vector<16xi32> to vector<16xi32>
      tpu.vector_store %arg6[%swap3A], %swap3A_51 {strides = array<i32>} : memref<16xi32, #tpu.memory_space<vmem>>, vector<16xi32>,
      %dma_start3A = arith.constant 0 : i32
      %dma_start3A_52 = arith.constant 0 : i32
      %dma_start3A_53 = tpu.memref_slice %arg2[%dma_start3A, %dma_start3A_52] : memref<65536x256xf32, #tpu.memory_space<hbm>> -> memref<65536x256xf32, #tpu.memory_space<hbm>>
      tpu.enqueue_indirect_dma source(%dma_start3A_53 : memref<65536x256xf32, #tpu.memory_space<hbm>>) target(%arg7 : memref<16x256xf32, #tpu.memory_space<vmem>>) offsets(%arg6 : memref<16xi32, #tpu.memory_space<vmem>>) semaphore(%arg8 : memref<!tpu.dma_semaphore, #tpu.memory_space<semaphore_mem>>)
      %dma_wait3A = arith.constant 0 : i32
      %dma_wait3A_54 = arith.constant 0 : i32
      %dma_wait3A_55 = tpu.memref_slice %arg2[%dma_wait3A, %dma_wait3A_54] : memref<65536x256xf32, #tpu.memory_space<hbm>> -> memref<65536x256xf32, #tpu.memory_space<hbm>>
      tpu.wait_indirect_dma semaphore(%arg8 : memref<!tpu.dma_semaphore, #tpu.memory_space<semaphore_mem>>) src(%dma_wait3A_55 : memref<65536x256xf32, #tpu.memory_space<hbm>>) dst(%arg7 : memref<16x256xf32, #tpu.memory_space<vmem>>)
      "tpu.region"() ({
        %run_scoped3A = tpu.sem_alloc : memref<!tpu.dma_semaphore, #tpu.memory_space<semaphore_mem>>
        %dma_start3A_56 = arith.constant 0 : i32
        %dma_start3A_57 = arith.constant 0 : i32
        %dma_start3A_58 = tpu.memref_slice %arg4[%add3A_2, %dma_start3A_56, %dma_start3A_57] : memref<50x16x256xf32, #tpu.memory_space<hbm>> -> memref<1x16x256xf32, #tpu.memory_space<hbm>>
        %dma_start3A_59 = tpu.memref_squeeze %dma_start3A_58 : memref<1x16x256xf32, #tpu.memory_space<hbm>> -> memref<16x256xf32, #tpu.memory_space<hbm>>
        %dma_start3A_60 = arith.constant 0 : i32
        %dma_start3A_61 = arith.constant 0 : i32
        %dma_start3A_62 = tpu.memref_slice %arg4[%add3A_2, %dma_start3A_60, %dma_start3A_61] : memref<50x16x256xf32, #tpu.memory_space<hbm>> -> memref<1x16x256xf32, #tpu.memory_space<hbm>>
        %dma_start3A_63 = tpu.memref_squeeze %dma_start3A_62 : memref<1x16x256xf32, #tpu.memory_space<hbm>> -> memref<16x256xf32, #tpu.memory_space<hbm>>
        tpu.enqueue_dma source(%arg7 : memref<16x256xf32, #tpu.memory_space<vmem>>) target(%dma_start3A_63 : memref<16x256xf32, #tpu.memory_space<hbm>>) target_semaphore(%run_scoped3A : memref<!tpu.dma_semaphore, #tpu.memory_space<semaphore_mem>>)
        %dma_wait3A_64 = arith.constant 0 : i32
        %dma_wait3A_65 = arith.constant 0 : i32
        %dma_wait3A_66 = tpu.memref_slice %arg4[%add3A_2, %dma_wait3A_64, %dma_wait3A_65] : memref<50x16x256xf32, #tpu.memory_space<hbm>> -> memref<1x16x256xf32, #tpu.memory_space<hbm>>
        %dma_wait3A_67 = tpu.memref_squeeze %dma_wait3A_66 : memref<1x16x256xf32, #tpu.memory_space<hbm>> -> memref<16x256xf32, #tpu.memory_space<hbm>>
        %dma_wait3A_68 = arith.constant 0 : i32
        %dma_wait3A_69 = arith.constant 0 : i32
        %dma_wait3A_70 = tpu.memref_slice %arg4[%add3A_2, %dma_wait3A_68, %dma_wait3A_69] : memref<50x16x256xf32, #tpu.memory_space<hbm>> -> memref<1x16x256xf32, #tpu.memory_space<hbm>>
        %dma_wait3A_71 = tpu.memref_squeeze %dma_wait3A_70 : memref<1x16x256xf32, #tpu.memory_space<hbm>> -> memref<16x256xf32, #tpu.memory_space<hbm>>
        tpu.wait_dma2 semaphore(%run_scoped3A : memref<!tpu.dma_semaphore, #tpu.memory_space<semaphore_mem>>) src(%arg7 : memref<16x256xf32, #tpu.memory_space<vmem>>) dst(%dma_wait3A_71 : memref<16x256xf32, #tpu.memory_space<hbm>>)
        tpu.yield
      }) : () -> ()
    } else {
    }
    %add3A_5 = arith.constant 32 : i32
    %add3A_6 = arith.addi %add3A, %add3A_5 : i32
    %lt3A_7 = arith.constant 50 : i32
    %lt3A_8 = arith.cmpi slt, %add3A_6, %lt3A_7 : i32
    %convert_element_type3A_9 = arith.extui %lt3A_8 : i1 to i32
    %cond3A_10 = arith.constant 0 : i32
    %cond3A_11 = arith.cmpi ne, %convert_element_type3A_9, %cond3A_10 : i32
    scf.if %cond3A_11 {
      %mul3A_12 = arith.constant 80 : i32
      %mul3A_13 = arith.muli %add3A_6, %mul3A_12 : i32
      %add3A_14 = arith.constant 16 : i32
      %add3A_15 = arith.addi %mul3A_13, %add3A_14 : i32
      %get3A = arith.index_cast %add3A_15 : i32 to index
      %get3A_16 = tpu.vector_load %arg5[%get3A] {strides = array<i32>} : memref<4000xf32, #tpu.memory_space<vmem>>, vector<16xf32>,
      %get3A_17 = vector.shape_cast %get3A_16 : vector<16xf32> to vector<16xf32>
      %add3A_18 = arith.constant 32 : i32
      %add3A_19 = arith.addi %mul3A_13, %add3A_18 : i32
      %get3A_20 = arith.index_cast %add3A_19 : i32 to index
      %get3A_21 = tpu.vector_load %arg5[%get3A_20] {strides = array<i32>} : memref<4000xf32, #tpu.memory_space<vmem>>, vector<16xf32>,
      %get3A_22 = vector.shape_cast %get3A_21 : vector<16xf32> to vector<16xf32>
      %mul3A_23 = arith.constant 6.400000e+01 : f32
      %mul3A_24 = vector.broadcast %mul3A_23 : f32 to vector<16xf32>
      %mul3A_25 = arith.mulf %get3A_17, %mul3A_24 : vector<16xf32>
      %mul3A_26 = arith.constant 6.400000e+01 : f32
      %mul3A_27 = vector.broadcast %mul3A_26 : f32 to vector<16xf32>
      %mul3A_28 = arith.mulf %get3A_22, %mul3A_27 : vector<16xf32>
      %convert_element_type3A_29 = arith.fptosi %mul3A_25 : vector<16xf32> to vector<16xi32>
      %max3A = arith.constant 0 : i32
      %max3A_30 = vector.broadcast %max3A : i32 to vector<16xi32>
      %max3A_31 = arith.maxsi %convert_element_type3A_29, %max3A_30 : vector<16xi32>
      %min3A = arith.constant 63 : i32
      %min3A_32 = vector.broadcast %min3A : i32 to vector<16xi32>
      %min3A_33 = arith.minsi %max3A_31, %min3A_32 : vector<16xi32>
      %convert_element_type3A_34 = arith.fptosi %mul3A_28 : vector<16xf32> to vector<16xi32>
      %max3A_35 = arith.constant 0 : i32
      %max3A_36 = vector.broadcast %max3A_35 : i32 to vector<16xi32>
      %max3A_37 = arith.maxsi %convert_element_type3A_34, %max3A_36 : vector<16xi32>
      %min3A_38 = arith.constant 63 : i32
      %min3A_39 = vector.broadcast %min3A_38 : i32 to vector<16xi32>
      %min3A_40 = arith.minsi %max3A_37, %min3A_39 : vector<16xi32>
      %mul3A_41 = arith.constant 64 : i32
      %mul3A_42 = vector.broadcast %mul3A_41 : i32 to vector<16xi32>
      %mul3A_43 = arith.muli %iota3A, %mul3A_42 : vector<16xi32>
      %add3A_44 = arith.addi %mul3A_43, %min3A_40 : vector<16xi32>
      %mul3A_45 = arith.constant 64 : i32
      %mul3A_46 = vector.broadcast %mul3A_45 : i32 to vector<16xi32>
      %mul3A_47 = arith.muli %add3A_44, %mul3A_46 : vector<16xi32>
      %add3A_48 = arith.addi %mul3A_47, %min3A_33 : vector<16xi32>
      %swap3A = arith.constant 0 : index
      %swap3A_49 = tpu.vector_load %arg6[%swap3A] {strides = array<i32>} : memref<16xi32, #tpu.memory_space<vmem>>, vector<16xi32>,
      %swap3A_50 = vector.shape_cast %swap3A_49 : vector<16xi32> to vector<16xi32>
      %swap3A_51 = vector.shape_cast %add3A_48 : vector<16xi32> to vector<16xi32>
      tpu.vector_store %arg6[%swap3A], %swap3A_51 {strides = array<i32>} : memref<16xi32, #tpu.memory_space<vmem>>, vector<16xi32>,
      %dma_start3A = arith.constant 0 : i32
      %dma_start3A_52 = arith.constant 0 : i32
      %dma_start3A_53 = tpu.memref_slice %arg2[%dma_start3A, %dma_start3A_52] : memref<65536x256xf32, #tpu.memory_space<hbm>> -> memref<65536x256xf32, #tpu.memory_space<hbm>>
      tpu.enqueue_indirect_dma source(%dma_start3A_53 : memref<65536x256xf32, #tpu.memory_space<hbm>>) target(%arg7 : memref<16x256xf32, #tpu.memory_space<vmem>>) offsets(%arg6 : memref<16xi32, #tpu.memory_space<vmem>>) semaphore(%arg8 : memref<!tpu.dma_semaphore, #tpu.memory_space<semaphore_mem>>)
      %dma_wait3A = arith.constant 0 : i32
      %dma_wait3A_54 = arith.constant 0 : i32
      %dma_wait3A_55 = tpu.memref_slice %arg2[%dma_wait3A, %dma_wait3A_54] : memref<65536x256xf32, #tpu.memory_space<hbm>> -> memref<65536x256xf32, #tpu.memory_space<hbm>>
      tpu.wait_indirect_dma semaphore(%arg8 : memref<!tpu.dma_semaphore, #tpu.memory_space<semaphore_mem>>) src(%dma_wait3A_55 : memref<65536x256xf32, #tpu.memory_space<hbm>>) dst(%arg7 : memref<16x256xf32, #tpu.memory_space<vmem>>)
      "tpu.region"() ({
        %run_scoped3A = tpu.sem_alloc : memref<!tpu.dma_semaphore, #tpu.memory_space<semaphore_mem>>
        %dma_start3A_56 = arith.constant 0 : i32
        %dma_start3A_57 = arith.constant 0 : i32
        %dma_start3A_58 = tpu.memref_slice %arg4[%add3A_6, %dma_start3A_56, %dma_start3A_57] : memref<50x16x256xf32, #tpu.memory_space<hbm>> -> memref<1x16x256xf32, #tpu.memory_space<hbm>>
        %dma_start3A_59 = tpu.memref_squeeze %dma_start3A_58 : memref<1x16x256xf32, #tpu.memory_space<hbm>> -> memref<16x256xf32, #tpu.memory_space<hbm>>
        %dma_start3A_60 = arith.constant 0 : i32
        %dma_start3A_61 = arith.constant 0 : i32
        %dma_start3A_62 = tpu.memref_slice %arg4[%add3A_6, %dma_start3A_60, %dma_start3A_61] : memref<50x16x256xf32, #tpu.memory_space<hbm>> -> memref<1x16x256xf32, #tpu.memory_space<hbm>>
        %dma_start3A_63 = tpu.memref_squeeze %dma_start3A_62 : memref<1x16x256xf32, #tpu.memory_space<hbm>> -> memref<16x256xf32, #tpu.memory_space<hbm>>
        tpu.enqueue_dma source(%arg7 : memref<16x256xf32, #tpu.memory_space<vmem>>) target(%dma_start3A_63 : memref<16x256xf32, #tpu.memory_space<hbm>>) target_semaphore(%run_scoped3A : memref<!tpu.dma_semaphore, #tpu.memory_space<semaphore_mem>>)
        %dma_wait3A_64 = arith.constant 0 : i32
        %dma_wait3A_65 = arith.constant 0 : i32
        %dma_wait3A_66 = tpu.memref_slice %arg4[%add3A_6, %dma_wait3A_64, %dma_wait3A_65] : memref<50x16x256xf32, #tpu.memory_space<hbm>> -> memref<1x16x256xf32, #tpu.memory_space<hbm>>
        %dma_wait3A_67 = tpu.memref_squeeze %dma_wait3A_66 : memref<1x16x256xf32, #tpu.memory_space<hbm>> -> memref<16x256xf32, #tpu.memory_space<hbm>>
        %dma_wait3A_68 = arith.constant 0 : i32
        %dma_wait3A_69 = arith.constant 0 : i32
        %dma_wait3A_70 = tpu.memref_slice %arg4[%add3A_6, %dma_wait3A_68, %dma_wait3A_69] : memref<50x16x256xf32, #tpu.memory_space<hbm>> -> memref<1x16x256xf32, #tpu.memory_space<hbm>>
        %dma_wait3A_71 = tpu.memref_squeeze %dma_wait3A_70 : memref<1x16x256xf32, #tpu.memory_space<hbm>> -> memref<16x256xf32, #tpu.memory_space<hbm>>
        tpu.wait_dma2 semaphore(%run_scoped3A : memref<!tpu.dma_semaphore, #tpu.memory_space<semaphore_mem>>) src(%arg7 : memref<16x256xf32, #tpu.memory_space<vmem>>) dst(%dma_wait3A_71 : memref<16x256xf32, #tpu.memory_space<hbm>>)
        tpu.yield
      }) : () -> ()
    } else {
    }
    return
  }
}

module attributes {stable_mosaic.version = 14 : i64} {
  func.func @_tc_body(%arg0: memref<16x4096xf32, #tpu.memory_space<vmem>>, %arg1: memref<16x4096xf32, #tpu.memory_space<vmem>>, %arg2: memref<16x4096xf32, #tpu.memory_space<vmem>>, %arg3: memref<50x5x16xf32, #tpu.memory_space<vmem>>, %arg4: memref<50x16x256xf32, #tpu.memory_space<vmem>>, %arg5: memref<1x1xf32, #tpu.memory_space<vmem>>) attributes {dimension_semantics = [], scalar_prefetch = 0 : i64, scratch_operands = 0 : i64, tpu.core_type = #tpu.core_type<tc>} {
    %get3A = arith.constant 0 : index
    %get3A_0 = arith.constant 0 : index
    %get3A_1 = vector.load %arg0[%get3A, %get3A_0] : memref<16x4096xf32, #tpu.memory_space<vmem>>, vector<16x4096xf32>
    %logistic3A = arith.negf %get3A_1 : vector<16x4096xf32>
    %logistic3A_2 = math.exp %logistic3A : vector<16x4096xf32>
    %logistic3A_3 = arith.constant 1.000000e+00 : f32
    %logistic3A_4 = vector.broadcast %logistic3A_3 : f32 to vector<16x4096xf32>
    %logistic3A_5 = arith.addf %logistic3A_4, %logistic3A_2 : vector<16x4096xf32>
    %logistic3A_6 = arith.divf %logistic3A_4, %logistic3A_5 : vector<16x4096xf32>
    %jit3A = arith.constant 1.000000e-07 : f32
    %jit3A_7 = arith.constant 0.99999988 : f32
    %max3A = vector.broadcast %jit3A : f32 to vector<16x4096xf32>
    %max3A_8 = arith.maximumf %max3A, %logistic3A_6 : vector<16x4096xf32>
    %min3A = vector.broadcast %jit3A_7 : f32 to vector<16x4096xf32>
    %min3A_9 = arith.minimumf %min3A, %max3A_8 : vector<16x4096xf32>
    %sub3A = arith.constant 1.000000e+00 : f32
    %sub3A_10 = vector.broadcast %sub3A : f32 to vector<16x4096xf32>
    %sub3A_11 = arith.subf %sub3A_10, %min3A_9 : vector<16x4096xf32>
    %log3A = math.log %sub3A_11 : vector<16x4096xf32>
    %neg3A = arith.constant 0.000000e+00 : f32
    %neg3A_12 = vector.broadcast %neg3A : f32 to vector<16x4096xf32>
    %neg3A_13 = arith.subf %neg3A_12, %log3A : vector<16x4096xf32>
    %reduce_sum3A = vector.shape_cast %neg3A_13 : vector<16x4096xf32> to vector<1x16x4096xf32>
    %reduce_sum3A_14 = arith.constant dense<0.000000e+00> : vector<1xf32>
    %reduce_sum3A_15 = vector.multi_reduction <add>, %reduce_sum3A, %reduce_sum3A_14 [1, 2] : vector<1x16x4096xf32> to vector<1xf32>
    %reduce_sum3A_16 = vector.shape_cast %reduce_sum3A_15 : vector<1xf32> to vector<1x1x1xf32>
    %reduce_sum3A_17 = vector.extract %reduce_sum3A_16[0, 0, 0] : f32 from vector<1x1x1xf32>
    %add3A = arith.constant 0.000000e+00 : f32
    %add3A_18 = arith.addf %add3A, %reduce_sum3A_17 : f32
    %get3A_19 = arith.constant 0 : index
    %get3A_20 = arith.constant 0 : index
    %get3A_21 = vector.load %arg1[%get3A_19, %get3A_20] : memref<16x4096xf32, #tpu.memory_space<vmem>>, vector<16x4096xf32>
    %logistic3A_22 = arith.negf %get3A_21 : vector<16x4096xf32>
    %logistic3A_23 = math.exp %logistic3A_22 : vector<16x4096xf32>
    %logistic3A_24 = arith.constant 1.000000e+00 : f32
    %logistic3A_25 = vector.broadcast %logistic3A_24 : f32 to vector<16x4096xf32>
    %logistic3A_26 = arith.addf %logistic3A_25, %logistic3A_23 : vector<16x4096xf32>
    %logistic3A_27 = arith.divf %logistic3A_25, %logistic3A_26 : vector<16x4096xf32>
    %jit3A_28 = arith.constant 1.000000e-07 : f32
    %jit3A_29 = arith.constant 0.99999988 : f32
    %max3A_30 = vector.broadcast %jit3A_28 : f32 to vector<16x4096xf32>
    %max3A_31 = arith.maximumf %max3A_30, %logistic3A_27 : vector<16x4096xf32>
    %min3A_32 = vector.broadcast %jit3A_29 : f32 to vector<16x4096xf32>
    %min3A_33 = arith.minimumf %min3A_32, %max3A_31 : vector<16x4096xf32>
    %sub3A_34 = arith.constant 1.000000e+00 : f32
    %sub3A_35 = vector.broadcast %sub3A_34 : f32 to vector<16x4096xf32>
    %sub3A_36 = arith.subf %sub3A_35, %min3A_33 : vector<16x4096xf32>
    %log3A_37 = math.log %sub3A_36 : vector<16x4096xf32>
    %neg3A_38 = arith.constant 0.000000e+00 : f32
    %neg3A_39 = vector.broadcast %neg3A_38 : f32 to vector<16x4096xf32>
    %neg3A_40 = arith.subf %neg3A_39, %log3A_37 : vector<16x4096xf32>
    %reduce_sum3A_41 = vector.shape_cast %neg3A_40 : vector<16x4096xf32> to vector<1x16x4096xf32>
    %reduce_sum3A_42 = arith.constant dense<0.000000e+00> : vector<1xf32>
    %reduce_sum3A_43 = vector.multi_reduction <add>, %reduce_sum3A_41, %reduce_sum3A_42 [1, 2] : vector<1x16x4096xf32> to vector<1xf32>
    %reduce_sum3A_44 = vector.shape_cast %reduce_sum3A_43 : vector<1xf32> to vector<1x1x1xf32>
    %reduce_sum3A_45 = vector.extract %reduce_sum3A_44[0, 0, 0] : f32 from vector<1x1x1xf32>
    %add3A_46 = arith.addf %add3A_18, %reduce_sum3A_45 : f32
    %get3A_47 = arith.constant 0 : index
    %get3A_48 = arith.constant 0 : index
    %get3A_49 = vector.load %arg2[%get3A_47, %get3A_48] : memref<16x4096xf32, #tpu.memory_space<vmem>>, vector<16x4096xf32>
    %logistic3A_50 = arith.negf %get3A_49 : vector<16x4096xf32>
    %logistic3A_51 = math.exp %logistic3A_50 : vector<16x4096xf32>
    %logistic3A_52 = arith.constant 1.000000e+00 : f32
    %logistic3A_53 = vector.broadcast %logistic3A_52 : f32 to vector<16x4096xf32>
    %logistic3A_54 = arith.addf %logistic3A_53, %logistic3A_51 : vector<16x4096xf32>
    %logistic3A_55 = arith.divf %logistic3A_53, %logistic3A_54 : vector<16x4096xf32>
    %jit3A_56 = arith.constant 1.000000e-07 : f32
    %jit3A_57 = arith.constant 0.99999988 : f32
    %max3A_58 = vector.broadcast %jit3A_56 : f32 to vector<16x4096xf32>
    %max3A_59 = arith.maximumf %max3A_58, %logistic3A_55 : vector<16x4096xf32>
    %min3A_60 = vector.broadcast %jit3A_57 : f32 to vector<16x4096xf32>
    %min3A_61 = arith.minimumf %min3A_60, %max3A_59 : vector<16x4096xf32>
    %sub3A_62 = arith.constant 1.000000e+00 : f32
    %sub3A_63 = vector.broadcast %sub3A_62 : f32 to vector<16x4096xf32>
    %sub3A_64 = arith.subf %sub3A_63, %min3A_61 : vector<16x4096xf32>
    %log3A_65 = math.log %sub3A_64 : vector<16x4096xf32>
    %neg3A_66 = arith.constant 0.000000e+00 : f32
    %neg3A_67 = vector.broadcast %neg3A_66 : f32 to vector<16x4096xf32>
    %neg3A_68 = arith.subf %neg3A_67, %log3A_65 : vector<16x4096xf32>
    %reduce_sum3A_69 = vector.shape_cast %neg3A_68 : vector<16x4096xf32> to vector<1x16x4096xf32>
    %reduce_sum3A_70 = arith.constant dense<0.000000e+00> : vector<1xf32>
    %reduce_sum3A_71 = vector.multi_reduction <add>, %reduce_sum3A_69, %reduce_sum3A_70 [1, 2] : vector<1x16x4096xf32> to vector<1xf32>
    %reduce_sum3A_72 = vector.shape_cast %reduce_sum3A_71 : vector<1xf32> to vector<1x1x1xf32>
    %reduce_sum3A_73 = vector.extract %reduce_sum3A_72[0, 0, 0] : f32 from vector<1x1x1xf32>
    %add3A_74 = arith.addf %add3A_46, %reduce_sum3A_73 : f32
    %get3A_75 = arith.constant 0 : index
    %get3A_76 = arith.constant 0 : index
    %get3A_77 = arith.constant 0 : index
    %get3A_78 = vector.load %arg3[%get3A_75, %get3A_76, %get3A_77] : memref<50x5x16xf32, #tpu.memory_space<vmem>>, vector<50x5x16xf32>
    %slice3A = vector.extract_strided_slice %get3A_78 {offsets = [0, 0, 0], sizes = [50, 1, 16], strides = [1, 1, 1]} : vector<50x5x16xf32> to vector<50x1x16xf32>
    %squeeze3A = vector.shape_cast %slice3A : vector<50x1x16xf32> to vector<50x16xf32>
    %slice3A_79 = vector.extract_strided_slice %get3A_78 {offsets = [0, 1, 0], sizes = [50, 1, 16], strides = [1, 1, 1]} : vector<50x5x16xf32> to vector<50x1x16xf32>
    %squeeze3A_80 = vector.shape_cast %slice3A_79 : vector<50x1x16xf32> to vector<50x16xf32>
    %mul3A = arith.constant 6.400000e+01 : f32
    %mul3A_81 = vector.broadcast %mul3A : f32 to vector<50x16xf32>
    %mul3A_82 = arith.mulf %squeeze3A_80, %mul3A_81 : vector<50x16xf32>
    %slice3A_83 = vector.extract_strided_slice %get3A_78 {offsets = [0, 2, 0], sizes = [50, 1, 16], strides = [1, 1, 1]} : vector<50x5x16xf32> to vector<50x1x16xf32>
    %squeeze3A_84 = vector.shape_cast %slice3A_83 : vector<50x1x16xf32> to vector<50x16xf32>
    %mul3A_85 = arith.constant 6.400000e+01 : f32
    %mul3A_86 = vector.broadcast %mul3A_85 : f32 to vector<50x16xf32>
    %mul3A_87 = arith.mulf %squeeze3A_84, %mul3A_86 : vector<50x16xf32>
    %slice3A_88 = vector.extract_strided_slice %get3A_78 {offsets = [0, 3, 0], sizes = [50, 1, 16], strides = [1, 1, 1]} : vector<50x5x16xf32> to vector<50x1x16xf32>
    %squeeze3A_89 = vector.shape_cast %slice3A_88 : vector<50x1x16xf32> to vector<50x16xf32>
    %mul3A_90 = arith.constant 6.400000e+01 : f32
    %mul3A_91 = vector.broadcast %mul3A_90 : f32 to vector<50x16xf32>
    %mul3A_92 = arith.mulf %squeeze3A_89, %mul3A_91 : vector<50x16xf32>
    %slice3A_93 = vector.extract_strided_slice %get3A_78 {offsets = [0, 4, 0], sizes = [50, 1, 16], strides = [1, 1, 1]} : vector<50x5x16xf32> to vector<50x1x16xf32>
    %squeeze3A_94 = vector.shape_cast %slice3A_93 : vector<50x1x16xf32> to vector<50x16xf32>
    %mul3A_95 = arith.constant 6.400000e+01 : f32
    %mul3A_96 = vector.broadcast %mul3A_95 : f32 to vector<50x16xf32>
    %mul3A_97 = arith.mulf %squeeze3A_94, %mul3A_96 : vector<50x16xf32>
    %floor3A = math.floor %mul3A_82 : vector<50x16xf32>
    %jit3A_98 = arith.constant 0 : i32
    %jit3A_99 = arith.constant 63 : i32
    %convert_element_type3A = arith.sitofp %jit3A_98 : i32 to f32
    %max3A_100 = vector.broadcast %convert_element_type3A : f32 to vector<50x16xf32>
    %max3A_101 = arith.maximumf %max3A_100, %floor3A : vector<50x16xf32>
    %convert_element_type3A_102 = arith.sitofp %jit3A_99 : i32 to f32
    %min3A_103 = vector.broadcast %convert_element_type3A_102 : f32 to vector<50x16xf32>
    %min3A_104 = arith.minimumf %min3A_103, %max3A_101 : vector<50x16xf32>
    %floor3A_105 = math.floor %mul3A_87 : vector<50x16xf32>
    %jit3A_106 = arith.constant 0 : i32
    %jit3A_107 = arith.constant 63 : i32
    %convert_element_type3A_108 = arith.sitofp %jit3A_106 : i32 to f32
    %max3A_109 = vector.broadcast %convert_element_type3A_108 : f32 to vector<50x16xf32>
    %max3A_110 = arith.maximumf %max3A_109, %floor3A_105 : vector<50x16xf32>
    %convert_element_type3A_111 = arith.sitofp %jit3A_107 : i32 to f32
    %min3A_112 = vector.broadcast %convert_element_type3A_111 : f32 to vector<50x16xf32>
    %min3A_113 = arith.minimumf %min3A_112, %max3A_110 : vector<50x16xf32>
    %convert_element_type3A_114 = arith.fptosi %min3A_104 : vector<50x16xf32> to vector<50x16xi32>
    %convert_element_type3A_115 = arith.fptosi %min3A_113 : vector<50x16xf32> to vector<50x16xi32>
    %add3A_116 = arith.constant 9.99999971E-10 : f32
    %add3A_117 = vector.broadcast %add3A_116 : f32 to vector<50x16xf32>
    %add3A_118 = arith.addf %mul3A_97, %add3A_117 : vector<50x16xf32>
    %min3A_119 = arith.constant 1.450000e+01 : f32
    %min3A_120 = vector.broadcast %min3A_119 : f32 to vector<50x16xf32>
    %min3A_121 = arith.minimumf %mul3A_92, %min3A_120 : vector<50x16xf32>
    %max3A_122 = arith.constant 0.000000e+00 : f32
    %max3A_123 = vector.broadcast %max3A_122 : f32 to vector<50x16xf32>
    %max3A_124 = arith.maximumf %min3A_121, %max3A_123 : vector<50x16xf32>
    %min3A_125 = arith.constant 1.125000e+01 : f32
    %min3A_126 = vector.broadcast %min3A_125 : f32 to vector<50x16xf32>
    %min3A_127 = arith.minimumf %add3A_118, %min3A_126 : vector<50x16xf32>
    %max3A_128 = arith.constant 0.000000e+00 : f32
    %max3A_129 = vector.broadcast %max3A_128 : f32 to vector<50x16xf32>
    %max3A_130 = arith.maximumf %min3A_127, %max3A_129 : vector<50x16xf32>
    %mul3A_131 = arith.mulf %max3A_124, %max3A_130 : vector<50x16xf32>
    %mul3A_132 = arith.mulf %mul3A_92, %add3A_118 : vector<50x16xf32>
    %add3A_133 = arith.constant 1.631250e+02 : f32
    %add3A_134 = vector.broadcast %add3A_133 : f32 to vector<50x16xf32>
    %add3A_135 = arith.addf %mul3A_132, %add3A_134 : vector<50x16xf32>
    %sub3A_136 = arith.subf %add3A_135, %mul3A_131 : vector<50x16xf32>
    %add3A_137 = arith.constant 9.99999971E-10 : f32
    %add3A_138 = vector.broadcast %add3A_137 : f32 to vector<50x16xf32>
    %add3A_139 = arith.addf %sub3A_136, %add3A_138 : vector<50x16xf32>
    %div3A = arith.divf %mul3A_131, %add3A_139 : vector<50x16xf32>
    %min3A_140 = arith.constant 1.950000e+01 : f32
    %min3A_141 = vector.broadcast %min3A_140 : f32 to vector<50x16xf32>
    %min3A_142 = arith.minimumf %mul3A_92, %min3A_141 : vector<50x16xf32>
    %max3A_143 = arith.constant 0.000000e+00 : f32
    %max3A_144 = vector.broadcast %max3A_143 : f32 to vector<50x16xf32>
    %max3A_145 = arith.maximumf %min3A_142, %max3A_144 : vector<50x16xf32>
    %min3A_146 = arith.constant 2.475000e+01 : f32
    %min3A_147 = vector.broadcast %min3A_146 : f32 to vector<50x16xf32>
    %min3A_148 = arith.minimumf %add3A_118, %min3A_147 : vector<50x16xf32>
    %max3A_149 = arith.constant 0.000000e+00 : f32
    %max3A_150 = vector.broadcast %max3A_149 : f32 to vector<50x16xf32>
    %max3A_151 = arith.maximumf %min3A_148, %max3A_150 : vector<50x16xf32>
    %mul3A_152 = arith.mulf %max3A_145, %max3A_151 : vector<50x16xf32>
    %mul3A_153 = arith.mulf %mul3A_92, %add3A_118 : vector<50x16xf32>
    %add3A_154 = arith.constant 4.826250e+02 : f32
    %add3A_155 = vector.broadcast %add3A_154 : f32 to vector<50x16xf32>
    %add3A_156 = arith.addf %mul3A_153, %add3A_155 : vector<50x16xf32>
    %sub3A_157 = arith.subf %add3A_156, %mul3A_152 : vector<50x16xf32>
    %add3A_158 = arith.constant 9.99999971E-10 : f32
    %add3A_159 = vector.broadcast %add3A_158 : f32 to vector<50x16xf32>
    %add3A_160 = arith.addf %sub3A_157, %add3A_159 : vector<50x16xf32>
    %div3A_161 = arith.divf %mul3A_152, %add3A_160 : vector<50x16xf32>
    %min3A_162 = arith.constant 4.662500e+01 : f32
    %min3A_163 = vector.broadcast %min3A_162 : f32 to vector<50x16xf32>
    %min3A_164 = arith.minimumf %mul3A_92, %min3A_163 : vector<50x16xf32>
    %max3A_165 = arith.constant 0.000000e+00 : f32
    %max3A_166 = vector.broadcast %max3A_165 : f32 to vector<50x16xf32>
    %max3A_167 = arith.maximumf %min3A_164, %max3A_166 : vector<50x16xf32>
    %min3A_168 = arith.constant 4.075000e+01 : f32
    %min3A_169 = vector.broadcast %min3A_168 : f32 to vector<50x16xf32>
    %min3A_170 = arith.minimumf %add3A_118, %min3A_169 : vector<50x16xf32>
    %max3A_171 = arith.constant 0.000000e+00 : f32
    %max3A_172 = vector.broadcast %max3A_171 : f32 to vector<50x16xf32>
    %max3A_173 = arith.maximumf %min3A_170, %max3A_172 : vector<50x16xf32>
    %mul3A_174 = arith.mulf %max3A_167, %max3A_173 : vector<50x16xf32>
    %mul3A_175 = arith.mulf %mul3A_92, %add3A_118 : vector<50x16xf32>
    %add3A_176 = arith.constant 1899.96875 : f32
    %add3A_177 = vector.broadcast %add3A_176 : f32 to vector<50x16xf32>
    %add3A_178 = arith.addf %mul3A_175, %add3A_177 : vector<50x16xf32>
    %sub3A_179 = arith.subf %add3A_178, %mul3A_174 : vector<50x16xf32>
    %add3A_180 = arith.constant 9.99999971E-10 : f32
    %add3A_181 = vector.broadcast %add3A_180 : f32 to vector<50x16xf32>
    %add3A_182 = arith.addf %sub3A_179, %add3A_181 : vector<50x16xf32>
    %div3A_183 = arith.divf %mul3A_174, %add3A_182 : vector<50x16xf32>
    %gt3A = arith.cmpf ogt, %div3A_161, %div3A : vector<50x16xf32>
    %jit3A_184 = arith.constant 1 : i32
    %jit3A_185 = arith.constant 0 : i32
    %broadcast_in_dim3A = vector.broadcast %jit3A_184 : i32 to vector<50x16xi32>
    %broadcast_in_dim3A_186 = vector.broadcast %jit3A_185 : i32 to vector<50x16xi32>
    %select_n3A = arith.select %gt3A, %broadcast_in_dim3A, %broadcast_in_dim3A_186 : vector<50x16xi1>, vector<50x16xi32>
    %max3A_187 = arith.maximumf %div3A, %div3A_161 : vector<50x16xf32>
    %gt3A_188 = arith.cmpf ogt, %div3A_183, %max3A_187 : vector<50x16xf32>
    %jit3A_189 = arith.constant 2 : i32
    %broadcast_in_dim3A_190 = vector.broadcast %jit3A_189 : i32 to vector<50x16xi32>
    %select_n3A_191 = arith.select %gt3A_188, %broadcast_in_dim3A_190, %select_n3A : vector<50x16xi1>, vector<50x16xi32>
    %eq3A = arith.constant 2 : i32
    %eq3A_192 = vector.broadcast %eq3A : i32 to vector<50x16xi32>
    %eq3A_193 = arith.cmpi eq, %select_n3A_191, %eq3A_192 : vector<50x16xi32>
    %eq3A_194 = arith.constant 1 : i32
    %eq3A_195 = vector.broadcast %eq3A_194 : i32 to vector<50x16xi32>
    %eq3A_196 = arith.cmpi eq, %select_n3A_191, %eq3A_195 : vector<50x16xi32>
    %jit3A_197 = arith.constant 1.950000e+01 : f32
    %jit3A_198 = arith.constant 1.450000e+01 : f32
    %broadcast_in_dim3A_199 = vector.broadcast %jit3A_197 : f32 to vector<50x16xf32>
    %broadcast_in_dim3A_200 = vector.broadcast %jit3A_198 : f32 to vector<50x16xf32>
    %select_n3A_201 = arith.select %eq3A_196, %broadcast_in_dim3A_199, %broadcast_in_dim3A_200 : vector<50x16xi1>, vector<50x16xf32>
    %jit3A_202 = arith.constant 4.662500e+01 : f32
    %broadcast_in_dim3A_203 = vector.broadcast %jit3A_202 : f32 to vector<50x16xf32>
    %select_n3A_204 = arith.select %eq3A_193, %broadcast_in_dim3A_203, %select_n3A_201 : vector<50x16xi1>, vector<50x16xf32>
    %eq3A_205 = arith.constant 2 : i32
    %eq3A_206 = vector.broadcast %eq3A_205 : i32 to vector<50x16xi32>
    %eq3A_207 = arith.cmpi eq, %select_n3A_191, %eq3A_206 : vector<50x16xi32>
    %eq3A_208 = arith.constant 1 : i32
    %eq3A_209 = vector.broadcast %eq3A_208 : i32 to vector<50x16xi32>
    %eq3A_210 = arith.cmpi eq, %select_n3A_191, %eq3A_209 : vector<50x16xi32>
    %jit3A_211 = arith.constant 2.475000e+01 : f32
    %jit3A_212 = arith.constant 1.125000e+01 : f32
    %broadcast_in_dim3A_213 = vector.broadcast %jit3A_211 : f32 to vector<50x16xf32>
    %broadcast_in_dim3A_214 = vector.broadcast %jit3A_212 : f32 to vector<50x16xf32>
    %select_n3A_215 = arith.select %eq3A_210, %broadcast_in_dim3A_213, %broadcast_in_dim3A_214 : vector<50x16xi1>, vector<50x16xf32>
    %jit3A_216 = arith.constant 4.075000e+01 : f32
    %broadcast_in_dim3A_217 = vector.broadcast %jit3A_216 : f32 to vector<50x16xf32>
    %select_n3A_218 = arith.select %eq3A_207, %broadcast_in_dim3A_217, %select_n3A_215 : vector<50x16xi1>, vector<50x16xf32>
    %iota3A = tpu.iota {dimensions = array<i32: 1>} : vector<50x16xi32>
    %mul3A_219 = arith.constant 64 : i32
    %mul3A_220 = vector.broadcast %mul3A_219 : i32 to vector<50x16xi32>
    %mul3A_221 = arith.muli %convert_element_type3A_115, %mul3A_220 : vector<50x16xi32>
    %add3A_222 = arith.addi %mul3A_221, %convert_element_type3A_114 : vector<50x16xi32>
    %mul3A_223 = arith.constant 3 : i32
    %mul3A_224 = vector.broadcast %mul3A_223 : i32 to vector<50x16xi32>
    %mul3A_225 = arith.muli %iota3A, %mul3A_224 : vector<50x16xi32>
    %add3A_226 = arith.addi %mul3A_225, %select_n3A_191 : vector<50x16xi32>
    %mul3A_227 = arith.constant 4096 : i32
    %mul3A_228 = vector.broadcast %mul3A_227 : i32 to vector<50x16xi32>
    %mul3A_229 = arith.muli %add3A_226, %mul3A_228 : vector<50x16xi32>
    %add3A_230 = arith.addi %mul3A_229, %add3A_222 : vector<50x16xi32>
    %iota3A_231 = tpu.iota {dimensions = array<i32: 0>} : vector<50x50x16xi32>
    %iota3A_232 = tpu.iota {dimensions = array<i32: 1>} : vector<50x50x16xi32>
    %broadcast_in_dim3A_233 = vector.shape_cast %add3A_230 : vector<50x16xi32> to vector<50x1x16xi32>
    %broadcast_in_dim3A_234 = vector.shape_cast %add3A_230 : vector<50x16xi32> to vector<1x50x16xi32>
    %eq3A_235 = vector.broadcast %broadcast_in_dim3A_233 : vector<50x1x16xi32> to vector<50x50x16xi32>
    %eq3A_236 = vector.broadcast %broadcast_in_dim3A_234 : vector<1x50x16xi32> to vector<50x50x16xi32>
    %eq3A_237 = arith.cmpi eq, %eq3A_235, %eq3A_236 : vector<50x50x16xi32>
    %gt3A_238 = arith.cmpi sgt, %iota3A_232, %iota3A_231 : vector<50x50x16xi32>
    %and3A = arith.andi %eq3A_237, %gt3A_238 : vector<50x50x16xi1>
    %reduce_or3A = arith.constant 1.000000e+00 : f32
    %reduce_or3A_239 = arith.constant 0.000000e+00 : f32
    %reduce_or3A_240 = vector.broadcast %reduce_or3A : f32 to vector<50x50x16xf32>
    %reduce_or3A_241 = vector.broadcast %reduce_or3A_239 : f32 to vector<50x50x16xf32>
    %reduce_or3A_242 = arith.select %and3A, %reduce_or3A_240, %reduce_or3A_241 : vector<50x50x16xi1>, vector<50x50x16xf32>
    %reduce_or3A_243 = arith.constant dense<0xFF800000> : vector<50x16xf32>
    %reduce_or3A_244 = vector.multi_reduction <maximumf>, %reduce_or3A_242, %reduce_or3A_243 [1] : vector<50x50x16xf32> to vector<50x16xf32>
    %reduce_or3A_245 = arith.constant 0.000000e+00 : f32
    %reduce_or3A_246 = vector.broadcast %reduce_or3A_245 : f32 to vector<50x16xf32>
    %reduce_or3A_247 = arith.cmpf ogt, %reduce_or3A_244, %reduce_or3A_246 : vector<50x16xf32>
    %convert_element_type3A_248 = arith.extui %reduce_or3A_247 : vector<50x16xi1> to vector<50x16xi32>
    %convert_element_type3A_249 = arith.sitofp %convert_element_type3A_248 : vector<50x16xi32> to vector<50x16xf32>
    %sub3A_250 = arith.constant 1.000000e+00 : f32
    %sub3A_251 = vector.broadcast %sub3A_250 : f32 to vector<50x16xf32>
    %sub3A_252 = arith.subf %sub3A_251, %convert_element_type3A_249 : vector<50x16xf32>
    %reduce_sum3A_253 = vector.shape_cast %sub3A_252 : vector<50x16xf32> to vector<1x50x16xf32>
    %reduce_sum3A_254 = arith.constant dense<0.000000e+00> : vector<1xf32>
    %reduce_sum3A_255 = vector.multi_reduction <add>, %reduce_sum3A_253, %reduce_sum3A_254 [1, 2] : vector<1x50x16xf32> to vector<1xf32>
    %reduce_sum3A_256 = vector.shape_cast %reduce_sum3A_255 : vector<1xf32> to vector<1x1x1xf32>
    %reduce_sum3A_257 = vector.extract %reduce_sum3A_256[0, 0, 0] : f32 from vector<1x1x1xf32>
    %mul3A_258 = arith.constant 4096 : i32
    %mul3A_259 = vector.broadcast %mul3A_258 : i32 to vector<50x16xi32>
    %mul3A_260 = arith.muli %iota3A, %mul3A_259 : vector<50x16xi32>
    %add3A_261 = arith.addi %mul3A_260, %add3A_222 : vector<50x16xi32>
    %broadcast_in_dim3A_262 = vector.shape_cast %add3A_261 : vector<50x16xi32> to vector<50x1x16xi32>
    %broadcast_in_dim3A_263 = vector.shape_cast %add3A_261 : vector<50x16xi32> to vector<1x50x16xi32>
    %eq3A_264 = vector.broadcast %broadcast_in_dim3A_262 : vector<50x1x16xi32> to vector<50x50x16xi32>
    %eq3A_265 = vector.broadcast %broadcast_in_dim3A_263 : vector<1x50x16xi32> to vector<50x50x16xi32>
    %eq3A_266 = arith.cmpi eq, %eq3A_264, %eq3A_265 : vector<50x50x16xi32>
    %lt3A = arith.cmpi slt, %iota3A_232, %iota3A_231 : vector<50x50x16xi32>
    %and3A_267 = arith.andi %eq3A_266, %lt3A : vector<50x50x16xi1>
    %get3A_268 = arith.constant 0 : index
    %get3A_269 = arith.constant 0 : index
    %get3A_270 = arith.constant 0 : index
    %get3A_271 = vector.load %arg4[%get3A_268, %get3A_269, %get3A_270] : memref<50x16x256xf32, #tpu.memory_space<vmem>>, vector<50x16x256xf32>
    %logistic3A_272 = arith.negf %get3A_271 : vector<50x16x256xf32>
    %logistic3A_273 = math.exp %logistic3A_272 : vector<50x16x256xf32>
    %logistic3A_274 = arith.constant 1.000000e+00 : f32
    %logistic3A_275 = vector.broadcast %logistic3A_274 : f32 to vector<50x16x256xf32>
    %logistic3A_276 = arith.addf %logistic3A_275, %logistic3A_273 : vector<50x16x256xf32>
    %logistic3A_277 = arith.divf %logistic3A_275, %logistic3A_276 : vector<50x16x256xf32>
    %jit3A_278 = arith.constant 1.000000e-07 : f32
    %jit3A_279 = arith.constant 0.99999988 : f32
    %max3A_280 = vector.broadcast %jit3A_278 : f32 to vector<50x16x256xf32>
    %max3A_281 = arith.maximumf %max3A_280, %logistic3A_277 : vector<50x16x256xf32>
    %min3A_282 = vector.broadcast %jit3A_279 : f32 to vector<50x16x256xf32>
    %min3A_283 = arith.minimumf %min3A_282, %max3A_281 : vector<50x16x256xf32>
    %log3A_284 = math.log %min3A_283 : vector<50x16x256xf32>
    %sub3A_285 = arith.constant 1.000000e+00 : f32
    %sub3A_286 = vector.broadcast %sub3A_285 : f32 to vector<50x16x256xf32>
    %sub3A_287 = arith.subf %sub3A_286, %min3A_283 : vector<50x16x256xf32>
    %log3A_288 = math.log %sub3A_287 : vector<50x16x256xf32>
    %iota3A_289 = tpu.iota {dimensions = array<i32: 2>} : vector<50x16x256xi32>
    %convert_element_type3A_290 = arith.fptosi %squeeze3A : vector<50x16xf32> to vector<50x16xi32>
    %jit3A_291 = arith.constant 0 : i32
    %jit3A_292 = arith.constant 79 : i32
    %max3A_293 = vector.broadcast %jit3A_291 : i32 to vector<50x16xi32>
    %max3A_294 = arith.maxsi %max3A_293, %convert_element_type3A_290 : vector<50x16xi32>
    %min3A_295 = vector.broadcast %jit3A_292 : i32 to vector<50x16xi32>
    %min3A_296 = arith.minsi %min3A_295, %max3A_294 : vector<50x16xi32>
    %gt3A_297 = arith.constant 5.000000e-01 : f32
    %gt3A_298 = vector.broadcast %gt3A_297 : f32 to vector<50x16xf32>
    %gt3A_299 = arith.cmpf ogt, %div3A, %gt3A_298 : vector<50x16xf32>
    %broadcast_in_dim3A_300 = vector.shape_cast %gt3A_299 : vector<50x16xi1> to vector<1x50x16xi1>
    %and3A_301 = vector.broadcast %broadcast_in_dim3A_300 : vector<1x50x16xi1> to vector<50x50x16xi1>
    %and3A_302 = arith.andi %and3A_267, %and3A_301 : vector<50x50x16xi1>
    %reduce_or3A_303 = arith.constant 1.000000e+00 : f32
    %reduce_or3A_304 = arith.constant 0.000000e+00 : f32
    %reduce_or3A_305 = vector.broadcast %reduce_or3A_303 : f32 to vector<50x50x16xf32>
    %reduce_or3A_306 = vector.broadcast %reduce_or3A_304 : f32 to vector<50x50x16xf32>
    %reduce_or3A_307 = arith.select %and3A_302, %reduce_or3A_305, %reduce_or3A_306 : vector<50x50x16xi1>, vector<50x50x16xf32>
    %reduce_or3A_308 = arith.constant dense<0xFF800000> : vector<50x16xf32>
    %reduce_or3A_309 = vector.multi_reduction <maximumf>, %reduce_or3A_307, %reduce_or3A_308 [1] : vector<50x50x16xf32> to vector<50x16xf32>
    %reduce_or3A_310 = arith.constant 0.000000e+00 : f32
    %reduce_or3A_311 = vector.broadcast %reduce_or3A_310 : f32 to vector<50x16xf32>
    %reduce_or3A_312 = arith.cmpf ogt, %reduce_or3A_309, %reduce_or3A_311 : vector<50x16xf32>
    %not3A = arith.constant dense<true> : vector<50x16xi1>
    %not3A_313 = arith.xori %reduce_or3A_312, %not3A : vector<50x16xi1>
    %and3A_314 = arith.andi %gt3A_299, %not3A_313 : vector<50x16xi1>
    %convert_element_type3A_315 = arith.extui %and3A_314 : vector<50x16xi1> to vector<50x16xi32>
    %convert_element_type3A_316 = arith.sitofp %convert_element_type3A_315 : vector<50x16xi32> to vector<50x16xf32>
    %slice3A_317 = vector.extract_strided_slice %log3A_288 {offsets = [0, 0, 4], sizes = [50, 16, 1], strides = [1, 1, 1]} : vector<50x16x256xf32> to vector<50x16x1xf32>
    %squeeze3A_318 = vector.shape_cast %slice3A_317 : vector<50x16x1xf32> to vector<50x16xf32>
    %neg3A_319 = arith.constant 0.000000e+00 : f32
    %neg3A_320 = vector.broadcast %neg3A_319 : f32 to vector<50x16xf32>
    %neg3A_321 = arith.subf %neg3A_320, %squeeze3A_318 : vector<50x16xf32>
    %mul3A_322 = arith.mulf %neg3A_321, %convert_element_type3A_316 : vector<50x16xf32>
    %reduce_sum3A_323 = vector.shape_cast %mul3A_322 : vector<50x16xf32> to vector<1x50x16xf32>
    %reduce_sum3A_324 = arith.constant dense<0.000000e+00> : vector<1xf32>
    %reduce_sum3A_325 = vector.multi_reduction <add>, %reduce_sum3A_323, %reduce_sum3A_324 [1, 2] : vector<1x50x16xf32> to vector<1xf32>
    %reduce_sum3A_326 = vector.shape_cast %reduce_sum3A_325 : vector<1xf32> to vector<1x1x1xf32>
    %reduce_sum3A_327 = vector.extract %reduce_sum3A_326[0, 0, 0] : f32 from vector<1x1x1xf32>
    %add3A_328 = arith.constant 0.000000e+00 : f32
    %add3A_329 = arith.addf %add3A_328, %reduce_sum3A_327 : f32
    %reduce_sum3A_330 = vector.shape_cast %convert_element_type3A_316 : vector<50x16xf32> to vector<1x50x16xf32>
    %reduce_sum3A_331 = arith.constant dense<0.000000e+00> : vector<1xf32>
    %reduce_sum3A_332 = vector.multi_reduction <add>, %reduce_sum3A_330, %reduce_sum3A_331 [1, 2] : vector<1x50x16xf32> to vector<1xf32>
    %reduce_sum3A_333 = vector.shape_cast %reduce_sum3A_332 : vector<1xf32> to vector<1x1x1xf32>
    %reduce_sum3A_334 = vector.extract %reduce_sum3A_333[0, 0, 0] : f32 from vector<1x1x1xf32>
    %add3A_335 = arith.constant 0.000000e+00 : f32
    %add3A_336 = arith.addf %add3A_335, %reduce_sum3A_334 : f32
    %ge3A = arith.constant 5 : i32
    %ge3A_337 = vector.broadcast %ge3A : i32 to vector<50x16x256xi32>
    %ge3A_338 = arith.cmpi sge, %iota3A_289, %ge3A_337 : vector<50x16x256xi32>
    %lt3A_339 = arith.constant 85 : i32
    %lt3A_340 = vector.broadcast %lt3A_339 : i32 to vector<50x16x256xi32>
    %lt3A_341 = arith.cmpi slt, %iota3A_289, %lt3A_340 : vector<50x16x256xi32>
    %and3A_342 = arith.andi %ge3A_338, %lt3A_341 : vector<50x16x256xi1>
    %add3A_343 = arith.constant 5 : i32
    %add3A_344 = vector.broadcast %add3A_343 : i32 to vector<50x16xi32>
    %add3A_345 = arith.addi %add3A_344, %min3A_296 : vector<50x16xi32>
    %broadcast_in_dim3A_346 = vector.shape_cast %add3A_345 : vector<50x16xi32> to vector<50x16x1xi32>
    %eq3A_347 = vector.broadcast %broadcast_in_dim3A_346 : vector<50x16x1xi32> to vector<50x16x256xi32>
    %eq3A_348 = arith.cmpi eq, %iota3A_289, %eq3A_347 : vector<50x16x256xi32>
    %neg3A_349 = arith.constant 0.000000e+00 : f32
    %neg3A_350 = vector.broadcast %neg3A_349 : f32 to vector<50x16x256xf32>
    %neg3A_351 = arith.subf %neg3A_350, %log3A_288 : vector<50x16x256xf32>
    %jit3A_352 = arith.constant 0.000000e+00 : f32
    %broadcast_in_dim3A_353 = vector.broadcast %jit3A_352 : f32 to vector<50x16x256xf32>
    %select_n3A_354 = arith.select %and3A_342, %neg3A_351, %broadcast_in_dim3A_353 : vector<50x16x256xi1>, vector<50x16x256xf32>
    %reduce_sum3A_355 = arith.constant dense<0.000000e+00> : vector<50x16xf32>
    %reduce_sum3A_356 = vector.multi_reduction <add>, %select_n3A_354, %reduce_sum3A_355 [2] : vector<50x16x256xf32> to vector<50x16xf32>
    %sub3A_357 = arith.subf %log3A_288, %log3A_284 : vector<50x16x256xf32>
    %jit3A_358 = arith.constant 0.000000e+00 : f32
    %broadcast_in_dim3A_359 = vector.broadcast %jit3A_358 : f32 to vector<50x16x256xf32>
    %select_n3A_360 = arith.select %eq3A_348, %sub3A_357, %broadcast_in_dim3A_359 : vector<50x16x256xi1>, vector<50x16x256xf32>
    %reduce_sum3A_361 = arith.constant dense<0.000000e+00> : vector<50x16xf32>
    %reduce_sum3A_362 = vector.multi_reduction <add>, %select_n3A_360, %reduce_sum3A_361 [2] : vector<50x16x256xf32> to vector<50x16xf32>
    %gt3A_363 = arith.constant 5.000000e-01 : f32
    %gt3A_364 = vector.broadcast %gt3A_363 : f32 to vector<50x16xf32>
    %gt3A_365 = arith.cmpf ogt, %div3A_161, %gt3A_364 : vector<50x16xf32>
    %broadcast_in_dim3A_366 = vector.shape_cast %gt3A_365 : vector<50x16xi1> to vector<1x50x16xi1>
    %and3A_367 = vector.broadcast %broadcast_in_dim3A_366 : vector<1x50x16xi1> to vector<50x50x16xi1>
    %and3A_368 = arith.andi %and3A_267, %and3A_367 : vector<50x50x16xi1>
    %reduce_or3A_369 = arith.constant 1.000000e+00 : f32
    %reduce_or3A_370 = arith.constant 0.000000e+00 : f32
    %reduce_or3A_371 = vector.broadcast %reduce_or3A_369 : f32 to vector<50x50x16xf32>
    %reduce_or3A_372 = vector.broadcast %reduce_or3A_370 : f32 to vector<50x50x16xf32>
    %reduce_or3A_373 = arith.select %and3A_368, %reduce_or3A_371, %reduce_or3A_372 : vector<50x50x16xi1>, vector<50x50x16xf32>
    %reduce_or3A_374 = arith.constant dense<0xFF800000> : vector<50x16xf32>
    %reduce_or3A_375 = vector.multi_reduction <maximumf>, %reduce_or3A_373, %reduce_or3A_374 [1] : vector<50x50x16xf32> to vector<50x16xf32>
    %reduce_or3A_376 = arith.constant 0.000000e+00 : f32
    %reduce_or3A_377 = vector.broadcast %reduce_or3A_376 : f32 to vector<50x16xf32>
    %reduce_or3A_378 = arith.cmpf ogt, %reduce_or3A_375, %reduce_or3A_377 : vector<50x16xf32>
    %not3A_379 = arith.constant dense<true> : vector<50x16xi1>
    %not3A_380 = arith.xori %reduce_or3A_378, %not3A_379 : vector<50x16xi1>
    %and3A_381 = arith.andi %gt3A_365, %not3A_380 : vector<50x16xi1>
    %convert_element_type3A_382 = arith.extui %and3A_381 : vector<50x16xi1> to vector<50x16xi32>
    %convert_element_type3A_383 = arith.sitofp %convert_element_type3A_382 : vector<50x16xi32> to vector<50x16xf32>
    %slice3A_384 = vector.extract_strided_slice %log3A_288 {offsets = [0, 0, 89], sizes = [50, 16, 1], strides = [1, 1, 1]} : vector<50x16x256xf32> to vector<50x16x1xf32>
    %squeeze3A_385 = vector.shape_cast %slice3A_384 : vector<50x16x1xf32> to vector<50x16xf32>
    %neg3A_386 = arith.constant 0.000000e+00 : f32
    %neg3A_387 = vector.broadcast %neg3A_386 : f32 to vector<50x16xf32>
    %neg3A_388 = arith.subf %neg3A_387, %squeeze3A_385 : vector<50x16xf32>
    %mul3A_389 = arith.mulf %neg3A_388, %convert_element_type3A_383 : vector<50x16xf32>
    %reduce_sum3A_390 = vector.shape_cast %mul3A_389 : vector<50x16xf32> to vector<1x50x16xf32>
    %reduce_sum3A_391 = arith.constant dense<0.000000e+00> : vector<1xf32>
    %reduce_sum3A_392 = vector.multi_reduction <add>, %reduce_sum3A_390, %reduce_sum3A_391 [1, 2] : vector<1x50x16xf32> to vector<1xf32>
    %reduce_sum3A_393 = vector.shape_cast %reduce_sum3A_392 : vector<1xf32> to vector<1x1x1xf32>
    %reduce_sum3A_394 = vector.extract %reduce_sum3A_393[0, 0, 0] : f32 from vector<1x1x1xf32>
    %add3A_395 = arith.addf %add3A_329, %reduce_sum3A_394 : f32
    %reduce_sum3A_396 = vector.shape_cast %convert_element_type3A_383 : vector<50x16xf32> to vector<1x50x16xf32>
    %reduce_sum3A_397 = arith.constant dense<0.000000e+00> : vector<1xf32>
    %reduce_sum3A_398 = vector.multi_reduction <add>, %reduce_sum3A_396, %reduce_sum3A_397 [1, 2] : vector<1x50x16xf32> to vector<1xf32>
    %reduce_sum3A_399 = vector.shape_cast %reduce_sum3A_398 : vector<1xf32> to vector<1x1x1xf32>
    %reduce_sum3A_400 = vector.extract %reduce_sum3A_399[0, 0, 0] : f32 from vector<1x1x1xf32>
    %add3A_401 = arith.addf %add3A_336, %reduce_sum3A_400 : f32
    %ge3A_402 = arith.constant 90 : i32
    %ge3A_403 = vector.broadcast %ge3A_402 : i32 to vector<50x16x256xi32>
    %ge3A_404 = arith.cmpi sge, %iota3A_289, %ge3A_403 : vector<50x16x256xi32>
    %lt3A_405 = arith.constant 170 : i32
    %lt3A_406 = vector.broadcast %lt3A_405 : i32 to vector<50x16x256xi32>
    %lt3A_407 = arith.cmpi slt, %iota3A_289, %lt3A_406 : vector<50x16x256xi32>
    %and3A_408 = arith.andi %ge3A_404, %lt3A_407 : vector<50x16x256xi1>
    %add3A_409 = arith.constant 90 : i32
    %add3A_410 = vector.broadcast %add3A_409 : i32 to vector<50x16xi32>
    %add3A_411 = arith.addi %add3A_410, %min3A_296 : vector<50x16xi32>
    %broadcast_in_dim3A_412 = vector.shape_cast %add3A_411 : vector<50x16xi32> to vector<50x16x1xi32>
    %eq3A_413 = vector.broadcast %broadcast_in_dim3A_412 : vector<50x16x1xi32> to vector<50x16x256xi32>
    %eq3A_414 = arith.cmpi eq, %iota3A_289, %eq3A_413 : vector<50x16x256xi32>
    %neg3A_415 = arith.constant 0.000000e+00 : f32
    %neg3A_416 = vector.broadcast %neg3A_415 : f32 to vector<50x16x256xf32>
    %neg3A_417 = arith.subf %neg3A_416, %log3A_288 : vector<50x16x256xf32>
    %jit3A_418 = arith.constant 0.000000e+00 : f32
    %broadcast_in_dim3A_419 = vector.broadcast %jit3A_418 : f32 to vector<50x16x256xf32>
    %select_n3A_420 = arith.select %and3A_408, %neg3A_417, %broadcast_in_dim3A_419 : vector<50x16x256xi1>, vector<50x16x256xf32>
    %reduce_sum3A_421 = arith.constant dense<0.000000e+00> : vector<50x16xf32>
    %reduce_sum3A_422 = vector.multi_reduction <add>, %select_n3A_420, %reduce_sum3A_421 [2] : vector<50x16x256xf32> to vector<50x16xf32>
    %sub3A_423 = arith.subf %log3A_288, %log3A_284 : vector<50x16x256xf32>
    %jit3A_424 = arith.constant 0.000000e+00 : f32
    %broadcast_in_dim3A_425 = vector.broadcast %jit3A_424 : f32 to vector<50x16x256xf32>
    %select_n3A_426 = arith.select %eq3A_414, %sub3A_423, %broadcast_in_dim3A_425 : vector<50x16x256xi1>, vector<50x16x256xf32>
    %reduce_sum3A_427 = arith.constant dense<0.000000e+00> : vector<50x16xf32>
    %reduce_sum3A_428 = vector.multi_reduction <add>, %select_n3A_426, %reduce_sum3A_427 [2] : vector<50x16x256xf32> to vector<50x16xf32>
    %gt3A_429 = arith.constant 5.000000e-01 : f32
    %gt3A_430 = vector.broadcast %gt3A_429 : f32 to vector<50x16xf32>
    %gt3A_431 = arith.cmpf ogt, %div3A_183, %gt3A_430 : vector<50x16xf32>
    %broadcast_in_dim3A_432 = vector.shape_cast %gt3A_431 : vector<50x16xi1> to vector<1x50x16xi1>
    %and3A_433 = vector.broadcast %broadcast_in_dim3A_432 : vector<1x50x16xi1> to vector<50x50x16xi1>
    %and3A_434 = arith.andi %and3A_267, %and3A_433 : vector<50x50x16xi1>
    %reduce_or3A_435 = arith.constant 1.000000e+00 : f32
    %reduce_or3A_436 = arith.constant 0.000000e+00 : f32
    %reduce_or3A_437 = vector.broadcast %reduce_or3A_435 : f32 to vector<50x50x16xf32>
    %reduce_or3A_438 = vector.broadcast %reduce_or3A_436 : f32 to vector<50x50x16xf32>
    %reduce_or3A_439 = arith.select %and3A_434, %reduce_or3A_437, %reduce_or3A_438 : vector<50x50x16xi1>, vector<50x50x16xf32>
    %reduce_or3A_440 = arith.constant dense<0xFF800000> : vector<50x16xf32>
    %reduce_or3A_441 = vector.multi_reduction <maximumf>, %reduce_or3A_439, %reduce_or3A_440 [1] : vector<50x50x16xf32> to vector<50x16xf32>
    %reduce_or3A_442 = arith.constant 0.000000e+00 : f32
    %reduce_or3A_443 = vector.broadcast %reduce_or3A_442 : f32 to vector<50x16xf32>
    %reduce_or3A_444 = arith.cmpf ogt, %reduce_or3A_441, %reduce_or3A_443 : vector<50x16xf32>
    %not3A_445 = arith.constant dense<true> : vector<50x16xi1>
    %not3A_446 = arith.xori %reduce_or3A_444, %not3A_445 : vector<50x16xi1>
    %and3A_447 = arith.andi %gt3A_431, %not3A_446 : vector<50x16xi1>
    %convert_element_type3A_448 = arith.extui %and3A_447 : vector<50x16xi1> to vector<50x16xi32>
    %convert_element_type3A_449 = arith.sitofp %convert_element_type3A_448 : vector<50x16xi32> to vector<50x16xf32>
    %slice3A_450 = vector.extract_strided_slice %log3A_288 {offsets = [0, 0, 174], sizes = [50, 16, 1], strides = [1, 1, 1]} : vector<50x16x256xf32> to vector<50x16x1xf32>
    %squeeze3A_451 = vector.shape_cast %slice3A_450 : vector<50x16x1xf32> to vector<50x16xf32>
    %neg3A_452 = arith.constant 0.000000e+00 : f32
    %neg3A_453 = vector.broadcast %neg3A_452 : f32 to vector<50x16xf32>
    %neg3A_454 = arith.subf %neg3A_453, %squeeze3A_451 : vector<50x16xf32>
    %mul3A_455 = arith.mulf %neg3A_454, %convert_element_type3A_449 : vector<50x16xf32>
    %reduce_sum3A_456 = vector.shape_cast %mul3A_455 : vector<50x16xf32> to vector<1x50x16xf32>
    %reduce_sum3A_457 = arith.constant dense<0.000000e+00> : vector<1xf32>
    %reduce_sum3A_458 = vector.multi_reduction <add>, %reduce_sum3A_456, %reduce_sum3A_457 [1, 2] : vector<1x50x16xf32> to vector<1xf32>
    %reduce_sum3A_459 = vector.shape_cast %reduce_sum3A_458 : vector<1xf32> to vector<1x1x1xf32>
    %reduce_sum3A_460 = vector.extract %reduce_sum3A_459[0, 0, 0] : f32 from vector<1x1x1xf32>
    %add3A_461 = arith.addf %add3A_395, %reduce_sum3A_460 : f32
    %reduce_sum3A_462 = vector.shape_cast %convert_element_type3A_449 : vector<50x16xf32> to vector<1x50x16xf32>
    %reduce_sum3A_463 = arith.constant dense<0.000000e+00> : vector<1xf32>
    %reduce_sum3A_464 = vector.multi_reduction <add>, %reduce_sum3A_462, %reduce_sum3A_463 [1, 2] : vector<1x50x16xf32> to vector<1xf32>
    %reduce_sum3A_465 = vector.shape_cast %reduce_sum3A_464 : vector<1xf32> to vector<1x1x1xf32>
    %reduce_sum3A_466 = vector.extract %reduce_sum3A_465[0, 0, 0] : f32 from vector<1x1x1xf32>
    %add3A_467 = arith.addf %add3A_401, %reduce_sum3A_466 : f32
    %ge3A_468 = arith.constant 175 : i32
    %ge3A_469 = vector.broadcast %ge3A_468 : i32 to vector<50x16x256xi32>
    %ge3A_470 = arith.cmpi sge, %iota3A_289, %ge3A_469 : vector<50x16x256xi32>
    %lt3A_471 = arith.constant 255 : i32
    %lt3A_472 = vector.broadcast %lt3A_471 : i32 to vector<50x16x256xi32>
    %lt3A_473 = arith.cmpi slt, %iota3A_289, %lt3A_472 : vector<50x16x256xi32>
    %and3A_474 = arith.andi %ge3A_470, %lt3A_473 : vector<50x16x256xi1>
    %add3A_475 = arith.constant 175 : i32
    %add3A_476 = vector.broadcast %add3A_475 : i32 to vector<50x16xi32>
    %add3A_477 = arith.addi %add3A_476, %min3A_296 : vector<50x16xi32>
    %broadcast_in_dim3A_478 = vector.shape_cast %add3A_477 : vector<50x16xi32> to vector<50x16x1xi32>
    %eq3A_479 = vector.broadcast %broadcast_in_dim3A_478 : vector<50x16x1xi32> to vector<50x16x256xi32>
    %eq3A_480 = arith.cmpi eq, %iota3A_289, %eq3A_479 : vector<50x16x256xi32>
    %neg3A_481 = arith.constant 0.000000e+00 : f32
    %neg3A_482 = vector.broadcast %neg3A_481 : f32 to vector<50x16x256xf32>
    %neg3A_483 = arith.subf %neg3A_482, %log3A_288 : vector<50x16x256xf32>
    %jit3A_484 = arith.constant 0.000000e+00 : f32
    %broadcast_in_dim3A_485 = vector.broadcast %jit3A_484 : f32 to vector<50x16x256xf32>
    %select_n3A_486 = arith.select %and3A_474, %neg3A_483, %broadcast_in_dim3A_485 : vector<50x16x256xi1>, vector<50x16x256xf32>
    %reduce_sum3A_487 = arith.constant dense<0.000000e+00> : vector<50x16xf32>
    %reduce_sum3A_488 = vector.multi_reduction <add>, %select_n3A_486, %reduce_sum3A_487 [2] : vector<50x16x256xf32> to vector<50x16xf32>
    %sub3A_489 = arith.subf %log3A_288, %log3A_284 : vector<50x16x256xf32>
    %jit3A_490 = arith.constant 0.000000e+00 : f32
    %broadcast_in_dim3A_491 = vector.broadcast %jit3A_490 : f32 to vector<50x16x256xf32>
    %select_n3A_492 = arith.select %eq3A_480, %sub3A_489, %broadcast_in_dim3A_491 : vector<50x16x256xi1>, vector<50x16x256xf32>
    %reduce_sum3A_493 = arith.constant dense<0.000000e+00> : vector<50x16xf32>
    %reduce_sum3A_494 = vector.multi_reduction <add>, %select_n3A_492, %reduce_sum3A_493 [2] : vector<50x16x256xf32> to vector<50x16xf32>
    %sub3A_495 = arith.subf %mul3A_82, %min3A_104 : vector<50x16xf32>
    %sub3A_496 = arith.subf %mul3A_87, %min3A_113 : vector<50x16xf32>
    %slice3A_497 = vector.extract_strided_slice %log3A_284 {offsets = [0, 0, 0], sizes = [50, 16, 1], strides = [1, 1, 1]} : vector<50x16x256xf32> to vector<50x16x1xf32>
    %squeeze3A_498 = vector.shape_cast %slice3A_497 : vector<50x16x1xf32> to vector<50x16xf32>
    %slice3A_499 = vector.extract_strided_slice %log3A_284 {offsets = [0, 0, 85], sizes = [50, 16, 1], strides = [1, 1, 1]} : vector<50x16x256xf32> to vector<50x16x1xf32>
    %squeeze3A_500 = vector.shape_cast %slice3A_499 : vector<50x16x1xf32> to vector<50x16xf32>
    %slice3A_501 = vector.extract_strided_slice %log3A_284 {offsets = [0, 0, 170], sizes = [50, 16, 1], strides = [1, 1, 1]} : vector<50x16x256xf32> to vector<50x16x1xf32>
    %squeeze3A_502 = vector.shape_cast %slice3A_501 : vector<50x16x1xf32> to vector<50x16xf32>
    %eq3A_503 = arith.constant 2 : i32
    %eq3A_504 = vector.broadcast %eq3A_503 : i32 to vector<50x16xi32>
    %eq3A_505 = arith.cmpi eq, %select_n3A_191, %eq3A_504 : vector<50x16xi32>
    %eq3A_506 = arith.constant 1 : i32
    %eq3A_507 = vector.broadcast %eq3A_506 : i32 to vector<50x16xi32>
    %eq3A_508 = arith.cmpi eq, %select_n3A_191, %eq3A_507 : vector<50x16xi32>
    %select_n3A_509 = arith.select %eq3A_508, %squeeze3A_500, %squeeze3A_498 : vector<50x16xi1>, vector<50x16xf32>
    %select_n3A_510 = arith.select %eq3A_505, %squeeze3A_502, %select_n3A_509 : vector<50x16xi1>, vector<50x16xf32>
    %slice3A_511 = vector.extract_strided_slice %log3A_288 {offsets = [0, 0, 0], sizes = [50, 16, 1], strides = [1, 1, 1]} : vector<50x16x256xf32> to vector<50x16x1xf32>
    %squeeze3A_512 = vector.shape_cast %slice3A_511 : vector<50x16x1xf32> to vector<50x16xf32>
    %slice3A_513 = vector.extract_strided_slice %log3A_288 {offsets = [0, 0, 85], sizes = [50, 16, 1], strides = [1, 1, 1]} : vector<50x16x256xf32> to vector<50x16x1xf32>
    %squeeze3A_514 = vector.shape_cast %slice3A_513 : vector<50x16x1xf32> to vector<50x16xf32>
    %slice3A_515 = vector.extract_strided_slice %log3A_288 {offsets = [0, 0, 170], sizes = [50, 16, 1], strides = [1, 1, 1]} : vector<50x16x256xf32> to vector<50x16x1xf32>
    %squeeze3A_516 = vector.shape_cast %slice3A_515 : vector<50x16x1xf32> to vector<50x16xf32>
    %eq3A_517 = arith.constant 2 : i32
    %eq3A_518 = vector.broadcast %eq3A_517 : i32 to vector<50x16xi32>
    %eq3A_519 = arith.cmpi eq, %select_n3A_191, %eq3A_518 : vector<50x16xi32>
    %eq3A_520 = arith.constant 1 : i32
    %eq3A_521 = vector.broadcast %eq3A_520 : i32 to vector<50x16xi32>
    %eq3A_522 = arith.cmpi eq, %select_n3A_191, %eq3A_521 : vector<50x16xi32>
    %select_n3A_523 = arith.select %eq3A_522, %squeeze3A_514, %squeeze3A_512 : vector<50x16xi1>, vector<50x16xf32>
    %select_n3A_524 = arith.select %eq3A_519, %squeeze3A_516, %select_n3A_523 : vector<50x16xi1>, vector<50x16xf32>
    %slice3A_525 = vector.extract_strided_slice %log3A_284 {offsets = [0, 0, 1], sizes = [50, 16, 1], strides = [1, 1, 1]} : vector<50x16x256xf32> to vector<50x16x1xf32>
    %squeeze3A_526 = vector.shape_cast %slice3A_525 : vector<50x16x1xf32> to vector<50x16xf32>
    %slice3A_527 = vector.extract_strided_slice %log3A_284 {offsets = [0, 0, 86], sizes = [50, 16, 1], strides = [1, 1, 1]} : vector<50x16x256xf32> to vector<50x16x1xf32>
    %squeeze3A_528 = vector.shape_cast %slice3A_527 : vector<50x16x1xf32> to vector<50x16xf32>
    %slice3A_529 = vector.extract_strided_slice %log3A_284 {offsets = [0, 0, 171], sizes = [50, 16, 1], strides = [1, 1, 1]} : vector<50x16x256xf32> to vector<50x16x1xf32>
    %squeeze3A_530 = vector.shape_cast %slice3A_529 : vector<50x16x1xf32> to vector<50x16xf32>
    %eq3A_531 = arith.constant 2 : i32
    %eq3A_532 = vector.broadcast %eq3A_531 : i32 to vector<50x16xi32>
    %eq3A_533 = arith.cmpi eq, %select_n3A_191, %eq3A_532 : vector<50x16xi32>
    %eq3A_534 = arith.constant 1 : i32
    %eq3A_535 = vector.broadcast %eq3A_534 : i32 to vector<50x16xi32>
    %eq3A_536 = arith.cmpi eq, %select_n3A_191, %eq3A_535 : vector<50x16xi32>
    %select_n3A_537 = arith.select %eq3A_536, %squeeze3A_528, %squeeze3A_526 : vector<50x16xi1>, vector<50x16xf32>
    %select_n3A_538 = arith.select %eq3A_533, %squeeze3A_530, %select_n3A_537 : vector<50x16xi1>, vector<50x16xf32>
    %slice3A_539 = vector.extract_strided_slice %log3A_288 {offsets = [0, 0, 1], sizes = [50, 16, 1], strides = [1, 1, 1]} : vector<50x16x256xf32> to vector<50x16x1xf32>
    %squeeze3A_540 = vector.shape_cast %slice3A_539 : vector<50x16x1xf32> to vector<50x16xf32>
    %slice3A_541 = vector.extract_strided_slice %log3A_288 {offsets = [0, 0, 86], sizes = [50, 16, 1], strides = [1, 1, 1]} : vector<50x16x256xf32> to vector<50x16x1xf32>
    %squeeze3A_542 = vector.shape_cast %slice3A_541 : vector<50x16x1xf32> to vector<50x16xf32>
    %slice3A_543 = vector.extract_strided_slice %log3A_288 {offsets = [0, 0, 171], sizes = [50, 16, 1], strides = [1, 1, 1]} : vector<50x16x256xf32> to vector<50x16x1xf32>
    %squeeze3A_544 = vector.shape_cast %slice3A_543 : vector<50x16x1xf32> to vector<50x16xf32>
    %eq3A_545 = arith.constant 2 : i32
    %eq3A_546 = vector.broadcast %eq3A_545 : i32 to vector<50x16xi32>
    %eq3A_547 = arith.cmpi eq, %select_n3A_191, %eq3A_546 : vector<50x16xi32>
    %eq3A_548 = arith.constant 1 : i32
    %eq3A_549 = vector.broadcast %eq3A_548 : i32 to vector<50x16xi32>
    %eq3A_550 = arith.cmpi eq, %select_n3A_191, %eq3A_549 : vector<50x16xi32>
    %select_n3A_551 = arith.select %eq3A_550, %squeeze3A_542, %squeeze3A_540 : vector<50x16xi1>, vector<50x16xf32>
    %select_n3A_552 = arith.select %eq3A_547, %squeeze3A_544, %select_n3A_551 : vector<50x16xi1>, vector<50x16xf32>
    %mul3A_553 = arith.mulf %sub3A_495, %select_n3A_510 : vector<50x16xf32>
    %sub3A_554 = arith.constant 1.000000e+00 : f32
    %sub3A_555 = vector.broadcast %sub3A_554 : f32 to vector<50x16xf32>
    %sub3A_556 = arith.subf %sub3A_555, %sub3A_495 : vector<50x16xf32>
    %mul3A_557 = arith.mulf %sub3A_556, %select_n3A_524 : vector<50x16xf32>
    %add3A_558 = arith.addf %mul3A_553, %mul3A_557 : vector<50x16xf32>
    %neg3A_559 = arith.constant 0.000000e+00 : f32
    %neg3A_560 = vector.broadcast %neg3A_559 : f32 to vector<50x16xf32>
    %neg3A_561 = arith.subf %neg3A_560, %add3A_558 : vector<50x16xf32>
    %mul3A_562 = arith.mulf %neg3A_561, %sub3A_252 : vector<50x16xf32>
    %reduce_sum3A_563 = vector.shape_cast %mul3A_562 : vector<50x16xf32> to vector<1x50x16xf32>
    %reduce_sum3A_564 = arith.constant dense<0.000000e+00> : vector<1xf32>
    %reduce_sum3A_565 = vector.multi_reduction <add>, %reduce_sum3A_563, %reduce_sum3A_564 [1, 2] : vector<1x50x16xf32> to vector<1xf32>
    %reduce_sum3A_566 = vector.shape_cast %reduce_sum3A_565 : vector<1xf32> to vector<1x1x1xf32>
    %reduce_sum3A_567 = vector.extract %reduce_sum3A_566[0, 0, 0] : f32 from vector<1x1x1xf32>
    %mul3A_568 = arith.mulf %sub3A_496, %select_n3A_538 : vector<50x16xf32>
    %sub3A_569 = arith.constant 1.000000e+00 : f32
    %sub3A_570 = vector.broadcast %sub3A_569 : f32 to vector<50x16xf32>
    %sub3A_571 = arith.subf %sub3A_570, %sub3A_496 : vector<50x16xf32>
    %mul3A_572 = arith.mulf %sub3A_571, %select_n3A_552 : vector<50x16xf32>
    %add3A_573 = arith.addf %mul3A_568, %mul3A_572 : vector<50x16xf32>
    %neg3A_574 = arith.constant 0.000000e+00 : f32
    %neg3A_575 = vector.broadcast %neg3A_574 : f32 to vector<50x16xf32>
    %neg3A_576 = arith.subf %neg3A_575, %add3A_573 : vector<50x16xf32>
    %mul3A_577 = arith.mulf %neg3A_576, %sub3A_252 : vector<50x16xf32>
    %reduce_sum3A_578 = vector.shape_cast %mul3A_577 : vector<50x16xf32> to vector<1x50x16xf32>
    %reduce_sum3A_579 = arith.constant dense<0.000000e+00> : vector<1xf32>
    %reduce_sum3A_580 = vector.multi_reduction <add>, %reduce_sum3A_578, %reduce_sum3A_579 [1, 2] : vector<1x50x16xf32> to vector<1xf32>
    %reduce_sum3A_581 = vector.shape_cast %reduce_sum3A_580 : vector<1xf32> to vector<1x1x1xf32>
    %reduce_sum3A_582 = vector.extract %reduce_sum3A_581[0, 0, 0] : f32 from vector<1x1x1xf32>
    %div3A_583 = arith.divf %mul3A_92, %select_n3A_204 : vector<50x16xf32>
    %add3A_584 = arith.constant 1.000000e-16 : f32
    %add3A_585 = vector.broadcast %add3A_584 : f32 to vector<50x16xf32>
    %add3A_586 = arith.addf %div3A_583, %add3A_585 : vector<50x16xf32>
    %log3A_587 = math.log %add3A_586 : vector<50x16xf32>
    %div3A_588 = arith.divf %mul3A_97, %select_n3A_218 : vector<50x16xf32>
    %add3A_589 = arith.constant 1.000000e-16 : f32
    %add3A_590 = vector.broadcast %add3A_589 : f32 to vector<50x16xf32>
    %add3A_591 = arith.addf %div3A_588, %add3A_590 : vector<50x16xf32>
    %log3A_592 = math.log %add3A_591 : vector<50x16xf32>
    %slice3A_593 = vector.extract_strided_slice %get3A_271 {offsets = [0, 0, 2], sizes = [50, 16, 1], strides = [1, 1, 1]} : vector<50x16x256xf32> to vector<50x16x1xf32>
    %squeeze3A_594 = vector.shape_cast %slice3A_593 : vector<50x16x1xf32> to vector<50x16xf32>
    %slice3A_595 = vector.extract_strided_slice %get3A_271 {offsets = [0, 0, 87], sizes = [50, 16, 1], strides = [1, 1, 1]} : vector<50x16x256xf32> to vector<50x16x1xf32>
    %squeeze3A_596 = vector.shape_cast %slice3A_595 : vector<50x16x1xf32> to vector<50x16xf32>
    %slice3A_597 = vector.extract_strided_slice %get3A_271 {offsets = [0, 0, 172], sizes = [50, 16, 1], strides = [1, 1, 1]} : vector<50x16x256xf32> to vector<50x16x1xf32>
    %squeeze3A_598 = vector.shape_cast %slice3A_597 : vector<50x16x1xf32> to vector<50x16xf32>
    %eq3A_599 = arith.constant 2 : i32
    %eq3A_600 = vector.broadcast %eq3A_599 : i32 to vector<50x16xi32>
    %eq3A_601 = arith.cmpi eq, %select_n3A_191, %eq3A_600 : vector<50x16xi32>
    %eq3A_602 = arith.constant 1 : i32
    %eq3A_603 = vector.broadcast %eq3A_602 : i32 to vector<50x16xi32>
    %eq3A_604 = arith.cmpi eq, %select_n3A_191, %eq3A_603 : vector<50x16xi32>
    %select_n3A_605 = arith.select %eq3A_604, %squeeze3A_596, %squeeze3A_594 : vector<50x16xi1>, vector<50x16xf32>
    %select_n3A_606 = arith.select %eq3A_601, %squeeze3A_598, %select_n3A_605 : vector<50x16xi1>, vector<50x16xf32>
    %sub3A_607 = arith.subf %select_n3A_606, %log3A_587 : vector<50x16xf32>
    %slice3A_608 = vector.extract_strided_slice %get3A_271 {offsets = [0, 0, 3], sizes = [50, 16, 1], strides = [1, 1, 1]} : vector<50x16x256xf32> to vector<50x16x1xf32>
    %squeeze3A_609 = vector.shape_cast %slice3A_608 : vector<50x16x1xf32> to vector<50x16xf32>
    %slice3A_610 = vector.extract_strided_slice %get3A_271 {offsets = [0, 0, 88], sizes = [50, 16, 1], strides = [1, 1, 1]} : vector<50x16x256xf32> to vector<50x16x1xf32>
    %squeeze3A_611 = vector.shape_cast %slice3A_610 : vector<50x16x1xf32> to vector<50x16xf32>
    %slice3A_612 = vector.extract_strided_slice %get3A_271 {offsets = [0, 0, 173], sizes = [50, 16, 1], strides = [1, 1, 1]} : vector<50x16x256xf32> to vector<50x16x1xf32>
    %squeeze3A_613 = vector.shape_cast %slice3A_612 : vector<50x16x1xf32> to vector<50x16xf32>
    %eq3A_614 = arith.constant 2 : i32
    %eq3A_615 = vector.broadcast %eq3A_614 : i32 to vector<50x16xi32>
    %eq3A_616 = arith.cmpi eq, %select_n3A_191, %eq3A_615 : vector<50x16xi32>
    %eq3A_617 = arith.constant 1 : i32
    %eq3A_618 = vector.broadcast %eq3A_617 : i32 to vector<50x16xi32>
    %eq3A_619 = arith.cmpi eq, %select_n3A_191, %eq3A_618 : vector<50x16xi32>
    %select_n3A_620 = arith.select %eq3A_619, %squeeze3A_611, %squeeze3A_609 : vector<50x16xi1>, vector<50x16xf32>
    %select_n3A_621 = arith.select %eq3A_616, %squeeze3A_613, %select_n3A_620 : vector<50x16xi1>, vector<50x16xf32>
    %sub3A_622 = arith.subf %select_n3A_621, %log3A_592 : vector<50x16xf32>
    %mul3A_623 = arith.mulf %sub3A_607, %sub3A_607 : vector<50x16xf32>
    %mul3A_624 = arith.mulf %mul3A_623, %sub3A_252 : vector<50x16xf32>
    %reduce_sum3A_625 = vector.shape_cast %mul3A_624 : vector<50x16xf32> to vector<1x50x16xf32>
    %reduce_sum3A_626 = arith.constant dense<0.000000e+00> : vector<1xf32>
    %reduce_sum3A_627 = vector.multi_reduction <add>, %reduce_sum3A_625, %reduce_sum3A_626 [1, 2] : vector<1x50x16xf32> to vector<1xf32>
    %reduce_sum3A_628 = vector.shape_cast %reduce_sum3A_627 : vector<1xf32> to vector<1x1x1xf32>
    %reduce_sum3A_629 = vector.extract %reduce_sum3A_628[0, 0, 0] : f32 from vector<1x1x1xf32>
    %mul3A_630 = arith.mulf %sub3A_622, %sub3A_622 : vector<50x16xf32>
    %mul3A_631 = arith.mulf %mul3A_630, %sub3A_252 : vector<50x16xf32>
    %reduce_sum3A_632 = vector.shape_cast %mul3A_631 : vector<50x16xf32> to vector<1x50x16xf32>
    %reduce_sum3A_633 = arith.constant dense<0.000000e+00> : vector<1xf32>
    %reduce_sum3A_634 = vector.multi_reduction <add>, %reduce_sum3A_632, %reduce_sum3A_633 [1, 2] : vector<1x50x16xf32> to vector<1xf32>
    %reduce_sum3A_635 = vector.shape_cast %reduce_sum3A_634 : vector<1xf32> to vector<1x1x1xf32>
    %reduce_sum3A_636 = vector.extract %reduce_sum3A_635[0, 0, 0] : f32 from vector<1x1x1xf32>
    %slice3A_637 = vector.extract_strided_slice %log3A_284 {offsets = [0, 0, 4], sizes = [50, 16, 1], strides = [1, 1, 1]} : vector<50x16x256xf32> to vector<50x16x1xf32>
    %squeeze3A_638 = vector.shape_cast %slice3A_637 : vector<50x16x1xf32> to vector<50x16xf32>
    %slice3A_639 = vector.extract_strided_slice %log3A_284 {offsets = [0, 0, 89], sizes = [50, 16, 1], strides = [1, 1, 1]} : vector<50x16x256xf32> to vector<50x16x1xf32>
    %squeeze3A_640 = vector.shape_cast %slice3A_639 : vector<50x16x1xf32> to vector<50x16xf32>
    %slice3A_641 = vector.extract_strided_slice %log3A_284 {offsets = [0, 0, 174], sizes = [50, 16, 1], strides = [1, 1, 1]} : vector<50x16x256xf32> to vector<50x16x1xf32>
    %squeeze3A_642 = vector.shape_cast %slice3A_641 : vector<50x16x1xf32> to vector<50x16xf32>
    %eq3A_643 = arith.constant 2 : i32
    %eq3A_644 = vector.broadcast %eq3A_643 : i32 to vector<50x16xi32>
    %eq3A_645 = arith.cmpi eq, %select_n3A_191, %eq3A_644 : vector<50x16xi32>
    %eq3A_646 = arith.constant 1 : i32
    %eq3A_647 = vector.broadcast %eq3A_646 : i32 to vector<50x16xi32>
    %eq3A_648 = arith.cmpi eq, %select_n3A_191, %eq3A_647 : vector<50x16xi32>
    %select_n3A_649 = arith.select %eq3A_648, %squeeze3A_640, %squeeze3A_638 : vector<50x16xi1>, vector<50x16xf32>
    %select_n3A_650 = arith.select %eq3A_645, %squeeze3A_642, %select_n3A_649 : vector<50x16xi1>, vector<50x16xf32>
    %neg3A_651 = arith.constant 0.000000e+00 : f32
    %neg3A_652 = vector.broadcast %neg3A_651 : f32 to vector<50x16xf32>
    %neg3A_653 = arith.subf %neg3A_652, %select_n3A_650 : vector<50x16xf32>
    %mul3A_654 = arith.mulf %neg3A_653, %sub3A_252 : vector<50x16xf32>
    %reduce_sum3A_655 = vector.shape_cast %mul3A_654 : vector<50x16xf32> to vector<1x50x16xf32>
    %reduce_sum3A_656 = arith.constant dense<0.000000e+00> : vector<1xf32>
    %reduce_sum3A_657 = vector.multi_reduction <add>, %reduce_sum3A_655, %reduce_sum3A_656 [1, 2] : vector<1x50x16xf32> to vector<1xf32>
    %reduce_sum3A_658 = vector.shape_cast %reduce_sum3A_657 : vector<1xf32> to vector<1x1x1xf32>
    %reduce_sum3A_659 = vector.extract %reduce_sum3A_658[0, 0, 0] : f32 from vector<1x1x1xf32>
    %eq3A_660 = arith.constant 2 : i32
    %eq3A_661 = vector.broadcast %eq3A_660 : i32 to vector<50x16xi32>
    %eq3A_662 = arith.cmpi eq, %select_n3A_191, %eq3A_661 : vector<50x16xi32>
    %eq3A_663 = arith.constant 1 : i32
    %eq3A_664 = vector.broadcast %eq3A_663 : i32 to vector<50x16xi32>
    %eq3A_665 = arith.cmpi eq, %select_n3A_191, %eq3A_664 : vector<50x16xi32>
    %select_n3A_666 = arith.select %eq3A_665, %reduce_sum3A_422, %reduce_sum3A_356 : vector<50x16xi1>, vector<50x16xf32>
    %select_n3A_667 = arith.select %eq3A_662, %reduce_sum3A_488, %select_n3A_666 : vector<50x16xi1>, vector<50x16xf32>
    %eq3A_668 = arith.constant 2 : i32
    %eq3A_669 = vector.broadcast %eq3A_668 : i32 to vector<50x16xi32>
    %eq3A_670 = arith.cmpi eq, %select_n3A_191, %eq3A_669 : vector<50x16xi32>
    %eq3A_671 = arith.constant 1 : i32
    %eq3A_672 = vector.broadcast %eq3A_671 : i32 to vector<50x16xi32>
    %eq3A_673 = arith.cmpi eq, %select_n3A_191, %eq3A_672 : vector<50x16xi32>
    %select_n3A_674 = arith.select %eq3A_673, %reduce_sum3A_428, %reduce_sum3A_362 : vector<50x16xi1>, vector<50x16xf32>
    %select_n3A_675 = arith.select %eq3A_670, %reduce_sum3A_494, %select_n3A_674 : vector<50x16xi1>, vector<50x16xf32>
    %add3A_676 = arith.addf %select_n3A_667, %select_n3A_675 : vector<50x16xf32>
    %mul3A_677 = arith.mulf %add3A_676, %sub3A_252 : vector<50x16xf32>
    %reduce_sum3A_678 = vector.shape_cast %mul3A_677 : vector<50x16xf32> to vector<1x50x16xf32>
    %reduce_sum3A_679 = arith.constant dense<0.000000e+00> : vector<1xf32>
    %reduce_sum3A_680 = vector.multi_reduction <add>, %reduce_sum3A_678, %reduce_sum3A_679 [1, 2] : vector<1x50x16xf32> to vector<1xf32>
    %reduce_sum3A_681 = vector.shape_cast %reduce_sum3A_680 : vector<1xf32> to vector<1x1x1xf32>
    %reduce_sum3A_682 = vector.extract %reduce_sum3A_681[0, 0, 0] : f32 from vector<1x1x1xf32>
    %sub3A_683 = arith.constant 1.966080e+05 : f32
    %sub3A_684 = arith.subf %sub3A_683, %reduce_sum3A_257 : f32
    %mul3A_685 = arith.constant 1.19209304E-7 : f32
    %mul3A_686 = arith.mulf %sub3A_684, %mul3A_685 : f32
    %add3A_687 = arith.addf %mul3A_686, %reduce_sum3A_567 : f32
    %mul3A_688 = arith.constant 5.000000e-01 : f32
    %mul3A_689 = arith.mulf %mul3A_688, %add3A_687 : f32
    %div3A_690 = arith.constant 1.966080e+05 : f32
    %div3A_691 = arith.divf %mul3A_689, %div3A_690 : f32
    %sub3A_692 = arith.constant 1.966080e+05 : f32
    %sub3A_693 = arith.subf %sub3A_692, %reduce_sum3A_257 : f32
    %mul3A_694 = arith.constant 1.19209304E-7 : f32
    %mul3A_695 = arith.mulf %sub3A_693, %mul3A_694 : f32
    %add3A_696 = arith.addf %mul3A_695, %reduce_sum3A_582 : f32
    %mul3A_697 = arith.constant 5.000000e-01 : f32
    %mul3A_698 = arith.mulf %mul3A_697, %add3A_696 : f32
    %div3A_699 = arith.constant 1.966080e+05 : f32
    %div3A_700 = arith.divf %mul3A_698, %div3A_699 : f32
    %mul3A_701 = arith.constant 2.500000e+00 : f32
    %mul3A_702 = arith.mulf %mul3A_701, %reduce_sum3A_629 : f32
    %div3A_703 = arith.constant 1.966080e+05 : f32
    %div3A_704 = arith.divf %mul3A_702, %div3A_703 : f32
    %mul3A_705 = arith.constant 2.500000e+00 : f32
    %mul3A_706 = arith.mulf %mul3A_705, %reduce_sum3A_636 : f32
    %div3A_707 = arith.constant 1.966080e+05 : f32
    %div3A_708 = arith.divf %mul3A_706, %div3A_707 : f32
    %sub3A_709 = arith.constant 1.966080e+05 : f32
    %sub3A_710 = arith.subf %sub3A_709, %reduce_sum3A_257 : f32
    %mul3A_711 = arith.constant 1.19209304E-7 : f32
    %mul3A_712 = arith.mulf %sub3A_710, %mul3A_711 : f32
    %add3A_713 = arith.addf %mul3A_712, %reduce_sum3A_659 : f32
    %div3A_714 = arith.constant 1.966080e+05 : f32
    %div3A_715 = arith.divf %add3A_713, %div3A_714 : f32
    %sub3A_716 = arith.subf %add3A_74, %add3A_461 : f32
    %mul3A_717 = arith.constant 1.19209304E-7 : f32
    %mul3A_718 = arith.mulf %add3A_467, %mul3A_717 : f32
    %add3A_719 = arith.addf %sub3A_716, %mul3A_718 : f32
    %mul3A_720 = arith.constant 5.000000e-01 : f32
    %mul3A_721 = arith.mulf %mul3A_720, %add3A_719 : f32
    %div3A_722 = arith.constant 1.966080e+05 : f32
    %div3A_723 = arith.divf %mul3A_721, %div3A_722 : f32
    %mul3A_724 = arith.constant 8.000000e+01 : f32
    %mul3A_725 = arith.mulf %reduce_sum3A_257, %mul3A_724 : f32
    %max3A_726 = arith.constant 1.000000e+00 : f32
    %max3A_727 = arith.maximumf %mul3A_725, %max3A_726 : f32
    %div3A_728 = arith.divf %reduce_sum3A_682, %max3A_727 : f32
    %add3A_729 = arith.addf %div3A_691, %div3A_700 : f32
    %add3A_730 = arith.addf %add3A_729, %div3A_704 : f32
    %add3A_731 = arith.addf %add3A_730, %div3A_708 : f32
    %add3A_732 = arith.addf %add3A_731, %div3A_715 : f32
    %add3A_733 = arith.addf %add3A_732, %div3A_723 : f32
    %add3A_734 = arith.addf %add3A_733, %div3A_728 : f32
    %broadcast_in_dim3A_735 = vector.broadcast %add3A_734 : f32 to vector<1x1xf32>
    %swap3A = arith.constant 0 : index
    %swap3A_736 = arith.constant 0 : index
    %swap3A_737 = vector.load %arg5[%swap3A, %swap3A_736] : memref<1x1xf32, #tpu.memory_space<vmem>>, vector<1x1xf32>
    tpu.vector_store %arg5[%swap3A, %swap3A_736], %broadcast_in_dim3A_735 {strides = array<i32>} : memref<1x1xf32, #tpu.memory_space<vmem>>, vector<1x1xf32>,
    return
  }
}

</mosaic_0001>

<sc_bundles>
// kernel: kernel.4.cloned.1.call-start
scs
__scs_entry_jumppad:
0x0: {  	(pc) =	sbr.rel $0x88, $3  }
0x1: {  	(tag) =	ssettag $0x0;
	lr =	simm.s32 $0x1  }
0x2: {  	[smem:$0x3F9F] =	sst lr;
	_ =	strace $0xD0000000  }
0x3: {  	_ = 	snop  }
0x4: {  	_ = 	snop  }
0x5: {  	_ = 	snop  }
0x6: {  	_ = 	snop  }
0x7: {  	_ = 	snop  }
__scs_overlays_trampoline_lowered:
0x8: {  	[smem:$0x3FAE] =	sst s0  }
0x9: {  	[smem:$0x3FAF] =	sst s1  }
0xa: {  	[smem:$0x3FB0] =	sst s2  }
0xb: {  	[smem:$0x3FB1] =	sst s3  }
0xc: {  	[smem:$0x3FB2] =	sst s4  }
0xd: {  	[smem:$0x3FB3] =	sst s5  }
0xe: {  	[smem:$0x3FB4] =	sst s6  }
0xf: {  	[smem:$0x3FB5] =	sst s7  }
0x10: {  	[smem:$0x3FB6] =	sst s8  }
0x11: {  	[smem:$0x3FB7] =	sst s9;
	s0 =	simm.s32 @!p0 $0x0  }
0x12: {  	s1 =	sld [smem:$0x3F9D];
	s0 =	simm.s32 @p0 $0x1  }
0x13: {  	[smem:$0x3FB8] =	sst s0;
	s0 =	simm.s32 @!p1 $0x0  }
0x14: {  	s2 =	sld [smem:$0x3F9C];
	s0 =	simm.s32 @p1 $0x1  }
0x15: {  	[smem:$0x3FB9] =	sst s0;
	s0 =	simm.s32 @!p2 $0x0  }
0x16: {  	s3 =	sld [smem:$0x3FDB];
	s0 =	simm.s32 @p2 $0x1  }
0x17: {  	s4 =	simm.s32 $0x1BF5;
	[smem:$0x3FBB] =	sst s0  }
0x18: {  	s0 =	sld [smem:$0x3F9E];
	_ =	swait.ge [sflag:s4], $0x0  }
0x19: {  	s7 =	sld [smem:$0x3F9F]  }
0x1a: {  	s8 =	sadd.s32 $0xFFFFE003, lr  }
0x1b: {  	s9 =	sadd.s32 $0xFFFFFEF7, lr;
	s5 =	simm.s32 $0xFFFFFFFF;
	p2 =	slt.u32 s8, $0xFFFFF086  }
0x1c: {  	p1 =	slt.u32 s9, $0xF7A;
	s5 =	simm.s32 @!p2 $0x0  }
0x1d: {  	s5 =	simm.s32 @p1 $0x1;
	p0 =	seq.s32 s7, s2  }
0x1e: {  	s7 =	smul.u32 @!p0 $0xF7A, s2;
	p2 =	seq.s32 @!p0 s5, $0x0  }
0x1f: {  	s9 =	smul.u32 $0xF7A, s1;
	s8 =	simm.s32 @!p0 $0x1BF5;
	p2 =	por !p2, p0  }
0x20: {  	[sflag:s8] =	ssyncset.s32 @!p0 $0xFFFFF086;
	s6 =	sadd.s32 @!p0 s3, s7;
	s7 =	simm.s32 @!p0 $0x108  }
0x21: {  	s3 =	sadd.s32 s3, s9;
	s6 =	sadd.s32 @!p0 $0x88, s6;
	s7 =	simm.s32 @p2 $0x1082  }
0x22: {  	[simem:s7], [sflag:s8] =	dma.local @!p0 [hbm:s6], $0xF7A  }
0x23: {  	s9 =	sor.u32 $0xD0000000, s2;
	s6 =	simm.s32 $0x108;
	_ =	swait.ge @!p0 [sflag:s8], $0x0  }
0x24: {  	s3 =	sadd.s32 $0x88, s3;
	s6 =	simm.s32 @!p1 $0x1082;
	[sflag:s4] =	ssyncset.s32 $0xFFFFF086  }
0x25: {  	[simem:s6], [sflag:s4] =	dma.local [hbm:s3], $0xF7A  }
0x26: {  	[smem:$0x3F9F] =	sst s1;
	(tag) =	ssettag s2;
	_ =	strace s9  }
0x27: {  	s1 =	sld [smem:$0x3FAF]  }
0x28: {  	s2 =	sld [smem:$0x3FB0]  }
0x29: {  	s4 =	sld [smem:$0x3FB2]  }
0x2a: {  	p0 =	seq.s32 s5, $0x0;
	s5 =	sld [smem:$0x3FB3]  }
0x2b: {  	s6 =	sld [smem:$0x3FB4]  }
0x2c: {  	s7 =	sld [smem:$0x3FB5]  }
0x2d: {  	s3 =	simm.s32 $0x108;
	s8 =	sld [smem:$0x3FB6]  }
0x2e: {  	s3 =	simm.s32 @!p0 $0x1082;
	s9 =	sld [smem:$0x3FB7]  }
0x2f: {  	lr =	sadd.s32 s0, s3;
	s0 =	sld [smem:$0x3FAE]  }
0x30: {  	s3 =	sld [smem:$0x3FB1]  }
0x31: {  	[smem:$0x3FBA] =	sst s10  }
0x32: {  	s10 =	sld [smem:$0x3FB8];
	_ =	sdelay $0x3  }
0x33: {  	p0 =	seq.s32 s10, $0x1;
	s10 =	sld [smem:$0x3FBA];
	_ =	sdelay $0x3  }
0x34: {  	[smem:$0x3FBA] =	sst s10  }
0x35: {  	s10 =	sld [smem:$0x3FB9];
	_ =	sdelay $0x3  }
0x36: {  	p1 =	seq.s32 s10, $0x1;
	s10 =	sld [smem:$0x3FBA];
	_ =	sdelay $0x3  }
0x37: {  	[smem:$0x3FBA] =	sst s10  }
0x38: {  	s10 =	sld [smem:$0x3FBB]  }
0x39: {  	_ = 	snop;
	(pc) =	sbr.ind lr, $3  }
0x3a: {  	_ = 	snop  }
0x3b: {  	_ = 	snop  }
0x3c: {  	p2 =	seq.s32 s10, $0x1;
	s10 =	sld [smem:$0x3FBA]  }
0x3d: {  	_ =	shalt  }
0x3e: {  	_ =	shalt  }
0x3f: {  	_ =	shalt  }
0x40: {  	_ =	shalt  }
0x41: {  	_ =	shalt  }
0x42: {  	_ =	shalt  }
0x43: {  	_ =	shalt  }
0x44: {  	_ =	shalt  }
0x45: {  	_ =	shalt  }
0x46: {  	_ =	shalt  }
0x47: {  	_ =	shalt  }
0x48: {  	_ =	shalt  }
0x49: {  	_ =	shalt  }
0x4a: {  	_ =	shalt  }
0x4b: {  	_ =	shalt  }
0x4c: {  	_ =	shalt  }
0x4d: {  	_ =	shalt  }
0x4e: {  	_ =	shalt  }
0x4f: {  	_ =	shalt  }
0x50: {  	_ =	shalt  }
0x51: {  	_ =	shalt  }
0x52: {  	_ =	shalt  }
0x53: {  	_ =	shalt  }
0x54: {  	_ =	shalt  }
0x55: {  	_ =	shalt  }
0x56: {  	_ =	shalt  }
0x57: {  	_ =	shalt  }
0x58: {  	_ =	shalt  }
0x59: {  	_ =	shalt  }
0x5a: {  	_ =	shalt  }
0x5b: {  	_ =	shalt  }
0x5c: {  	_ =	shalt  }
0x5d: {  	_ =	shalt  }
0x5e: {  	_ =	shalt  }
0x5f: {  	_ =	shalt  }
0x60: {  	_ =	shalt  }
0x61: {  	_ =	shalt  }
0x62: {  	_ =	shalt  }
0x63: {  	_ =	shalt  }
0x64: {  	_ =	shalt  }
0x65: {  	_ =	shalt  }
0x66: {  	_ =	shalt  }
0x67: {  	_ =	shalt  }
0x68: {  	_ =	shalt  }
0x69: {  	_ =	shalt  }
0x6a: {  	_ =	shalt  }
0x6b: {  	_ =	shalt  }
0x6c: {  	_ =	shalt  }
0x6d: {  	_ =	shalt  }
0x6e: {  	_ =	shalt  }
0x6f: {  	_ =	shalt  }
0x70: {  	_ =	shalt  }
0x71: {  	_ =	shalt  }
0x72: {  	_ =	shalt  }
0x73: {  	_ =	shalt  }
0x74: {  	_ =	shalt  }
0x75: {  	_ =	shalt  }
0x76: {  	_ =	shalt  }
0x77: {  	_ =	shalt  }
0x78: {  	_ =	shalt  }
0x79: {  	_ =	shalt  }
0x7a: {  	_ =	shalt  }
0x7b: {  	_ =	shalt  }
0x7c: {  	_ =	shalt  }
0x7d: {  	_ =	shalt  }
0x7e: {  	_ =	shalt  }
0x7f: {  	_ =	shalt  }
0x80: {  	_ =	shalt  }
0x81: {  	_ =	shalt  }
0x82: {  	_ =	shalt  }
0x83: {  	_ =	shalt  }
0x84: {  	_ =	shalt  }
0x85: {  	_ =	shalt  }
0x86: {  	_ =	shalt  }
0x87: {  	_ =	shalt  }
.Lfunc_end0:
.L_simem_size_0:
called_computation_lowered:
.L_overlay_start_0:
0x88: {  	s2 =	sld [smem:$0x3FD9]  }
0x89: {  	s3 =	sld [smem:$0x3FFE];
	_ =	sdelay $0x1  }
0x8a: {  	s1 =	srdreg.scid  }
0x8b: {  	s0 =	sand.u32 $0x1, s1  }
0x8c: {  	s16 =	sshll.u32 s0, $0xA;
	s2 =	sadd.s32 s3, s2  }
0x8d: {  	s2 =	sadd.s32 s2, s16  }
0x8e: {  	[smem:$0x3FC6] =	sst s2  }
0x8f: {  	_ = 	snop  }
0x90: {  	(tm) =	ssettm $0x1  }
0x91: {  	s17 =	sld [smem:$0x3FFB];
	_ =	sdelay $0x3  }
0x92: {  	_ =	strace s17  }
0x93: {  	s2 =	sld [smem:$0x3FFC];
	_ =	sdelay $0x3  }
0x94: {  	_ =	strace s2  }
0x95: {  	s2 =	sld [smem:$0x3FFD];
	_ =	sdelay $0x3  }
0x96: {  	_ =	strace s2  }
0x97: {  	_ =	strace $0x8FFFFFFF  }
0x98: {  	s18 =	sld [smem:$0x3FDB];
	_ =	sdelay $0x1  }
0x99: {  	s19 =	simm.s32 $_scs_section_size  }
0x9a: {  	s4 =	simm.s32 $_size__tile_overlayer_lowered;
	s5 =	simm.s32 $_tile_overlayer_lowered  }
0x9b: {  	s22 =	simm.s32 $0x1BFF;
	s21 =	sshll.u32 s5, $0x1;
	s2 =	sadd.s32 s19, s18  }
0x9c: {  	s6 =	simm.s32 $0x0;
	s20 =	sshll.u32 s4, $0x1;
	s4 =	sadd.s32 s21, s2  }
0x9d: {  	[timem:s6], [sflag:s22] =	dma.local [hbm:s4], s20  }
0x9e: {  	_ =	swait.ge [sflag:s22], s20  }
0x9f: {  	s3 =	ssub.s32 $0x0, s20;
	[sflag:s22] =	ssyncset.done $0x0  }
0xa0: {  	[sflag:s22] =	ssyncadd.s32 s3;
	_ =	sdelay $0x1  }
0xa1: {  	s23 =	simm.s32 $0x1B8B  }
0xa2: {  	_ =	swait.ge [sflag:s23], $0x1  }
0xa3: {  	[sflag:s23] =	ssyncset.done $0x0  }
0xa4: {  	s25 =	simm.s32 $0x1B8E;
	s24 =	sld [smem:$0x3FFE];
	[sflag:s23] =	ssyncadd.s32 $0xFFFFFFFF  }
0xa5: {  	s26 =	simm.s32 $execute0_lowered;
	[smem:$0x3FD2] =	sst s25  }
0xa6: {  	s4 =	sshll.u32 s26, $0x1;
	_ =	strace $0x80000046;
	[dreg:$0x1] =	wrdreg $0xFFFFFFFF  }
0xa7: {  	s28 =	simm.s32 $_size_execute0_lowered;
	s2 =	sadd.s32 s2, s4;
	[dreg:$0x0] =	wrdreg $0x0  }
0xa8: {  	s4 =	sshll.u32 s28, $0x1;
	[dreg:$0x2] =	wrdreg s2  }
0xa9: {  	[dreg:$0x3] =	wrdreg s4  }
0xaa: {  	[dreg:$0x4] =	wrdreg $0xC0  }
0xab: {  	_ =	task [dreg:s6], $0x5FFFF  }
0xac: {  	[dreg:$0x1] =	wrdreg $0xFFFFFFFF  }
0xad: {  	[dreg:$0x0] =	wrdreg $0x60  }
0xae: {  	[dreg:$0x2] =	wrdreg s24  }
0xaf: {  	[dreg:$0x3] =	wrdreg $0x9  }
0xb0: {  	_ =	task.clear_ibuf [dreg:s6], $0x4FFFF;
	_ =	strace $0x90000046  }
0xb1: {  	s29 =	simm.s32 $0x9;
	_ =	strace $0x80000048  }
0xb2: {  	_ =	swait.ge [sflag:s29], $0x1  }
0xb3: {  	[sflag:s29] =	ssyncadd.s32 $0xFFFFFFFF  }
0xb4: {  	_ =	strace $0x90000048  }
0xb5: {  	_ =	sfence  }
0xb6: {  	s30 =	sld [smem:$0x0];
	_ =	sdelay $0x2  }
0xb7: {  	s31 =	sshll.u32 s1, $0xD;
	s1 =	sshrl.u32 s1, $0x2  }
0xb8: {  	s3 =	sand.u32 $0x4000, s31;
	s1 =	sadd.s32 s1, s30  }
0xb9: {  	s0 =	sor.u32 s3, s0;
	s1 =	sshll.u32 s1, $0x11  }
0xba: {  	s0 =	sor.u32 s1, s0  }
0xbb: {  	s0 =	sadd.s32 $0x8F2B, s0  }
0xbc: {  	[sflag:s0] =	ssyncadd.remote.s32 $0x1  }
0xbd: {  	_ =	sfence.sel $0xFFFF  }
0xbe: {  	[dreg:$0x0] =	wrdreg $0xFFFFFFFF;
	(pc) =	sbr.abs _section_cstart, $3  }
0xbf: {  	[dreg:$0x1] =	wrdreg $0xFFFFFFFF  }
0xc0: {  	_ =	task.clear_ibuf [dreg:s6], $0x2FFFF;
	_ =	strace $0x9FFFFFFF  }
0xc1: {  	(tm) =	ssettm $0x7FFFFFFF  }
tec
execute0_lowered:
.L_overlay_start_1:
0x0: {  	(tag) =	ssettag $0x1  }
0x1: {  	s1 =	rddreg [dreg:$0x0]  }
0x2: {  	s0 =	rddreg [dreg:$0x1];
	s3 =	simm.s32 $0x0  }
0x3: {  	s4 =	srdreg.scid;
	s2 =	stileid.u32;
	s12 =	simm.s32 $0x1880  }
0x4: {  	s13 =	simm.s32 $0x1;
	[smem:$0x7FF] =	sst s3;
	s5 =	sand.u32 $0x1, s4  }
0x5: {  	s6 =	sshll.u32 s2, $0x1;
	s4 =	sadd.s32 $0x200, s1;
	s10 =	sadd.s32 $0x200200, s1  }
0x6: {  	p0 =	sgt.u32 s2, $0x8;
	s7 =	ssub.s32 $0x2, s5;
	s6 =	sor.u32 s5, s6  }
0x7: {  	_ =	strace $0x80000047;
	s29 =	sshrl.u32 s7, $0x1;
	s8 =	smul.u32 $0x140, s6  }
0x8: {  	s9 =	sor.u32 $0x20, s6;
	s6 =	sshll.u32 s6, $0x9;
	s11 =	ssub.s32 s7, s29  }
0x9: {  	v3 =	vlaneseq.u32;
	vm0 =	vmmov $0xffff;
	s30 =	smul.u32 $0x140, s9;
	s31 =	sshll.u32 s9, $0x9;
	s6 =	sadd.s32 s10, s6  }
0xa: {  	v2 =	vshrl.u32 v3, $0x3;
	v0 =	vmul.u32 $0x1000, v3;
	v1 =	vand.u32 $0x7, v3;
	s5 =	sshrl.u32 s8, $0x2;
	s8 =	sadd.s32 s10, s31;
	s9 =	smax.u32 s11, $0x1  }
0xb: {  	v3 =	vor.u32 $0x8, v3;
	v2 =	vmul.u32 $0x8, v2;
	vm1 =	vmmov @!p0 $0xffff;
	s10 =	simm.s32 $0x2;
	s11 =	simm.s32 $0x1080;
	s7 =	sshrl.u32 s30, $0x2  }
.LBB2_1:
0xc: {  	[tilespmem:s3], [sflag:$0x2] =	stream.linear.gather [hbm4b:s1+s3], $0x1000, $0x38;
	[tilespmem:$0x2080] =	vst v63  }
0xd: {  	_ =	swait.ge [sflag:s10], $0x1000  }
0xe: {  	[sflag:s10] =	ssyncset.done $0x0  }
0xf: {  	[sflag:s10] =	ssyncadd.s32 $0xFFFFF000  }
0x10: {  	v4 =	vld [tilespmem:s5+$0x20];
	_ =	sdelay $0x1  }
0x11: {  	v5 =	vld [tilespmem:s5+$0x10];
	_ =	sdelay $0x2  }
0x12: {  	v4 =	vmul.f32 $6.400000000e+01, v4;
	_ =	sdelay $0x1  }
0x13: {  	v5 =	vmul.f32 $6.400000000e+01, v5;
	v4 =	vtrunc.f32 v4  }
0x14: {  	v4 =	vcvt.f32.s32 v4  }
0x15: {  	v5 =	vtrunc.f32 v5  }
0x16: {  	v5 =	vcvt.f32.s32 v5;
	vm2 =	vgt.s32 v4, $0x0  }
0x17: {  	v4 =	vnsel vm2, $0x0, v4  }
0x18: {  	vm2 =	vgt.s32 v5, $0x0;
	v4 =	vmin.u32 v4, $0x3F  }
0x19: {  	v5 =	vnsel vm2, $0x0, v5;
	v4 =	vshll.u32 v4, $0x6  }
0x1a: {  	v5 =	vmin.u32 v5, $0x3F;
	v4 =	vor.u32 v0, v4  }
0x1b: {  	v4 =	vor.u32 v5, v4  }
0x1c: {  	v6 =	vshll.u32 v4, $0x1  }
0x1d: {  	v5 =	vand.u32 $0x7, v5;
	v6 =	vand.u32 $0x1FFF0, v6  }
0x1e: {  	v5 =	vor.u32 v5, v6  }
0x1f: {  	v6 =	vperm.xlane v5, v1;
	_ =	sdelay $0x1  }
0x20: {  	v5 =	vperm.xlane v5, v3;
	v6 =	vadd.s32 v2, v6;
	_ =	sdelay $0x1  }
0x21: {  	v5 =	vadd.s32 v2, v5;
	_ =	sdelay $0x1  }
0x22: {  	[tilespmem:$0x1000] =	vst v4  }
0x23: {  	[tilespmem:s11], [sflag:$0x1] =	stream.indirect_vreg.gather [hbm4b:s4+s3], $0x80, v6, vm0, $0xb8;
	[tilespmem:$0x2080] =	vst v63  }
0x24: {  	_ = 	snop  }
0x25: {  	[tilespmem:s12], [sflag:$0x1] =	stream.indirect_vreg.gather [hbm4b:s4+s3], $0x80, v5, vm0, $0xb8;
	[tilespmem:$0x2080] =	vst v63  }
0x26: {  	_ =	swait.ge [sflag:s13], $0x1000  }
0x27: {  	[sflag:s13] =	ssyncset.done $0x0  }
0x28: {  	[sflag:s13] =	ssyncadd.s32 $0xFFFFF000  }
0x29: {  	[hbm4b:s6+s3] =	stream.linear.scatter [tilespmem:s11], [sflag:$0x2], $0x1000, $0x38;
	[tilespmem:$0x2080] =	vst v63  }
0x2a: {  	_ =	swait.ge [sflag:s10], $0x1000  }
0x2b: {  	[sflag:s10] =	ssyncset.done $0x0  }
0x2c: {  	[sflag:s10] =	ssyncadd.s32 $0xFFFFF000  }
0x2d: {  	v4 =	vld @!p0 [tilespmem:s7+$0x20];
	_ =	sdelay $0x1  }
0x2e: {  	v5 =	vld @!p0 [tilespmem:s7+$0x10];
	_ =	sdelay $0x2  }
0x2f: {  	v4 =	vmul.f32 @!p0 $6.400000000e+01, v4;
	_ =	sdelay $0x1  }
0x30: {  	v5 =	vmul.f32 @!p0 $6.400000000e+01, v5;
	v4 =	vtrunc.f32 @!p0 v4  }
0x31: {  	v4 =	vcvt.f32.s32 @!p0 v4  }
0x32: {  	v5 =	vtrunc.f32 @!p0 v5  }
0x33: {  	v5 =	vcvt.f32.s32 @!p0 v5;
	vm2 =	vgt.s32 @!p0 v4, $0x0  }
0x34: {  	v6 =	vlaneseq.u32 @!p0;
	v4 =	vnsel @!p0 vm2, $0x0, v4  }
0x35: {  	v7 =	vmul.u32 @!p0 $0x1000, v6;
	vm2 =	vgt.s32 @!p0 v5, $0x0;
	v4 =	vmin.u32 @!p0 v4, $0x3F  }
0x36: {  	v5 =	vnsel @!p0 vm2, $0x0, v5;
	v4 =	vshll.u32 @!p0 v4, $0x6  }
0x37: {  	v5 =	vmin.u32 @!p0 v5, $0x3F;
	v4 =	vor.u32 @!p0 v7, v4  }
0x38: {  	v4 =	vor.u32 @!p0 v5, v4  }
0x39: {  	v7 =	vshll.u32 @!p0 v4, $0x1  }
0x3a: {  	v5 =	vand.u32 @!p0 $0x7, v5;
	v7 =	vand.u32 @!p0 $0x1FFF0, v7  }
0x3b: {  	v8 =	vshrl.u32 @!p0 v6, $0x3;
	v5 =	vor.u32 @!p0 v5, v7;
	v7 =	vand.u32 @!p0 $0x7, v6  }
0x3c: {  	v8 =	vmul.u32 @!p0 $0x8, v8;
	v7 =	vperm.xlane @!p0 v5, v7  }
0x3d: {  	v6 =	vor.u32 @!p0 $0x8, v6  }
0x3e: {  	v5 =	vperm.xlane @!p0 v5, v6;
	v6 =	vadd.s32 @!p0 v8, v7;
	_ =	sdelay $0x1  }
0x3f: {  	v5 =	vadd.s32 @!p0 v8, v5;
	_ =	sdelay $0x1  }
0x40: {  	s14 =	simm.s32 @!p0 $0x0;
	s15 =	simm.s32 @!p0 $0x1080;
	[tilespmem:$0x1000] =	vst @!p0 v4  }
0x41: {  	[tilespmem:s15], [sflag:$0x1] =	stream.indirect_vreg.gather @!p0 [hbm4b:s4+s14], $0x80, v6, vm1, $0xb8;
	[tilespmem:$0x2080] =	vst v63  }
0x42: {  	s16 =	simm.s32 @!p0 $0x1880  }
0x43: {  	[tilespmem:s16], [sflag:$0x1] =	stream.indirect_vreg.gather @!p0 [hbm4b:s4+s14], $0x80, v5, vm1, $0xb8;
	[tilespmem:$0x2080] =	vst v63  }
0x44: {  	s16 =	simm.s32 @!p0 $0x1  }
0x45: {  	_ =	swait.ge @!p0 [sflag:s16], $0x1000  }
0x46: {  	s9 =	sadd.s32 $0xFFFFFFFF, s9;
	[sflag:s16] =	ssyncset.done @!p0 $0x0  }
0x47: {  	p1 =	sne.s32 s9, $0x0;
	[sflag:s16] =	ssyncadd.s32 @!p0 $0xFFFFF000  }
0x48: {  	[hbm4b:s8+s14] =	stream.linear.scatter @!p0 [tilespmem:s15], [sflag:$0x2], $0x1000, $0x38;
	[tilespmem:$0x2080] =	vst v63  }
.Ltmp0:
0x49: {  	_ = 	snop;
	(pc) =	sbr.rel @p1 .LBB2_1-.Ltmp0, $4  }
0x4a: {  	s14 =	simm.s32 @!p0 $0x2  }
0x4b: {  	_ =	swait.ge @!p0 [sflag:s14], $0x1000  }
0x4c: {  	[sflag:s14] =	ssyncset.done @!p0 $0x0  }
0x4d: {  	[sflag:s14] =	ssyncadd.s32 @!p0 $0xFFFFF000  }
0x4e: {  	_ =	sfence.sel $0x180000  }
0x4f: {  	[bflag:$0x0] =	sbarrier.arrive $0xFFFF  }
0x50: {  	p0 =	sne.s32 s2, $0x0;
	_ =	strace $0x90000047  }
0x51: {  	s0 =	sadd.s32 @!p0 $0x100000, s0;
	[bflag:$0x2] =	sbarrier.arrive $0xFFFF  }
0x52: {  	[sflag:s0] =	ssyncadd.tile.s32 @!p0 $0x1;
	_ =	shalt  }
.Lfunc_end2:
_tile_overlayer_lowered:
.L_overlay_start_2:
0x53: {  	(tag) =	ssettag $0x2  }
0x54: {  	s0 =	rddreg [dreg:$0x0];
	s2 =	stileid.u32  }
0x55: {  	s1 =	rddreg [dreg:$0x1];
	p0 =	sne.s32 s2, $0x0  }
0x56: {  	s3 =	rddreg [dreg:$0x2];
	[bflag:$0x3] =	sbarrier.arrive $0xFFFF;
	s2 =	simm.s32 @!p0 $0x1C02  }
0x57: {  	[timem:s3], [sflag:s2] =	dma.local @!p0 [hbm:s0], s1  }
0x58: {  	s0 =	simm.s32 @!p0 $0x2  }
0x59: {  	_ =	swait.ge @!p0 [sflag:s0], s1  }
0x5a: {  	s1 =	ssub.s32 @!p0 $0x0, s1;
	[sflag:s0] =	ssyncset.done @!p0 $0x0  }
0x5b: {  	[sflag:s0] =	ssyncadd.s32 @!p0 s1  }
0x5c: {  	[bflag:$0x3] =	sbarrier.arrive $0xFFFF  }
0x5d: {  	_ =	shalt  }

</sc_bundles>
